<compile_context>
chip_gen: v7x
topology: tpu7x:2x2x1
jax: 0.10.2.dev20260603
libtpu: 0.0.44.dev20260713+nightly
codegen_flags: <defaults>
</compile_context>

<pallas_src>
import functools

import jax
import jax.numpy as jnp
from jax import lax
from jax.experimental import pallas as pl
from jax.experimental.pallas import tpu as pltpu
from jax.experimental.pallas import tpu_sc as plsc

CHUNK = 640
SUB = 128


@functools.partial(jax.jit, static_argnames=("cpw", "nc", "ns"))
def _gather_rows(idx2d, weight, *, cpw, nc, ns):
    nw = nc * ns
    _, n_rows, chunk = idx2d.shape
    v, d = weight.shape
    b = nw * n_rows * chunk
    mesh = plsc.VectorSubcoreMesh(core_axis_name="c", subcore_axis_name="s")

    @functools.partial(
        pl.kernel,
        out_type=jax.ShapeDtypeStruct((b, d), jnp.float32),
        mesh=mesh,
        scratch_types=[
            pltpu.VMEM((cpw, chunk), jnp.int32),
            pltpu.VMEM((chunk, d), jnp.float32),
            pltpu.VMEM((chunk, d), jnp.float32),
            pltpu.SemaphoreType.DMA,
            pltpu.SemaphoreType.DMA,
        ],
        compiler_params=pltpu.CompilerParams(use_tc_tiling_on_sc=False),
    )
    def k(idx_hbm, w_hbm, out_hbm, idx_v, buf0, buf1, sem0, sem1):
        wid = lax.axis_index("s") * nc + lax.axis_index("c")
        base = wid * cpw * chunk

        pltpu.sync_copy(
            idx_hbm.at[wid, pl.ds(0, 1)], idx_v.at[pl.ds(0, 1)]
        )

        nsub = chunk // SUB

        def start(j, buf, sem):
            for s in range(nsub):
                pltpu.async_copy(
                    w_hbm.at[idx_v.at[j, pl.ds(s * SUB, SUB)]],
                    buf.at[pl.ds(s * SUB, SUB)],
                    sem,
                )

        def wait(buf, sem):
            for s in range(nsub):
                pltpu.make_async_copy(
                    w_hbm.at[idx_v.at[0, pl.ds(s * SUB, SUB)]],
                    buf.at[pl.ds(s * SUB, SUB)],
                    sem,
                ).wait()

        def put(j, buf):
            pltpu.sync_copy(buf, out_hbm.at[pl.ds(base + j * chunk, chunk)])

        start(0, buf0, sem0)
        pltpu.sync_copy(
            idx_hbm.at[wid, pl.ds(1, cpw - 1)], idx_v.at[pl.ds(1, cpw - 1)]
        )

        @pl.loop(0, cpw // 2 - 1)
        def _(i):
            j = i * 2
            wait(buf0, sem0)
            start(j + 1, buf1, sem1)
            put(j, buf0)
            wait(buf1, sem1)
            start(j + 2, buf0, sem0)
            put(j + 1, buf1)

        wait(buf0, sem0)
        start(cpw - 1, buf1, sem1)
        put(cpw - 2, buf0)
        wait(buf1, sem1)
        put(cpw - 1, buf1)

    return k(idx2d, weight)


def kernel(indices, weight):
    b0, s = indices.shape
    v, d = weight.shape
    info = plsc.get_sparse_core_info()
    nc, ns = info.num_cores, info.num_subcores
    nw = nc * ns
    b = b0 * s
    assert b % (nw * CHUNK) == 0
    cpw = b // (nw * CHUNK)
    idx2d = indices.astype(jnp.int32).reshape(nw, cpw, CHUNK)
    out = _gather_rows(idx2d, weight, cpw=cpw, nc=nc, ns=ns)
    return out.reshape(b0, s, d)

# --- scband reference (transcript-rebuilt; emitter-appended) ---
"""Pipeline reference for scband-prompt-embedding-23021024706849 (READ-ONLY COPY).

The authoritative reference and input builder live on the scoring server;
editing this copy changes nothing except your own understanding.
"""

import jax, jax.numpy as jnp
import numpy as np

NUM = 100000
DIM = 64

def setup_inputs(seed: int = 0) -> dict:
    key = jax.random.key(seed)
    k1, k2 = jax.random.split(key)
    indices = jax.random.randint(k1, (4096, 50), 0, NUM, dtype=jnp.int64)
    weight = jax.random.normal(k2, (NUM, DIM), dtype=jnp.float32)
    return {"indices": indices, "weight": weight}

def reference(indices, weight):
    # PromptEmbedding.forward: embedding lookup
    prompt_embeddings = jnp.take(weight, indices, axis=0)
    return prompt_embeddings

if __name__ == "__main__":
    import jax
    _d = setup_inputs()
    print(jax.jit(kernel)(*tuple(_d.values())))

</pallas_src>

<mosaic_0001>
#map = affine_map<(d0, d1) -> (0, 0, 0)>
#map1 = affine_map<(d0, d1) -> (0, 0)>
module attributes {stable_mosaic.version = 14 : i64} {
  func.func @k(%arg0: i32, %arg1: i32, %arg2: memref<32x10x640xi32, #tpu.memory_space<hbm>>, %arg3: memref<100000x64xf32, #tpu.memory_space<hbm>>, %arg4: memref<204800x64xf32, #tpu.memory_space<hbm>>, %arg5: memref<10x640xi32, #tpu.memory_space<vmem>>, %arg6: memref<640x64xf32, #tpu.memory_space<vmem>>, %arg7: memref<640x64xf32, #tpu.memory_space<vmem>>, %arg8: memref<!tpu.dma_semaphore, #tpu.memory_space<semaphore_mem>>, %arg9: memref<!tpu.dma_semaphore, #tpu.memory_space<semaphore_mem>>) attributes {dimension_semantics = [#tpu.dimension_semantics<core_parallel>, #tpu.dimension_semantics<subcore_parallel>], iteration_bounds = array<i64: 2, 16>, scalar_prefetch = 0 : i64, scratch_operands = 5 : i64, tpu.core_type = #tpu.core_type<sc_vector_subcore>, window_params = [{transform_indices = #map}, {transform_indices = #map1}, {transform_indices = #map1}]} {
    %mul3A = arith.constant 2 : i32
    %mul3A_0 = arith.muli %arg1, %mul3A : i32
    %add3A = arith.addi %mul3A_0, %arg0 : i32
    %mul3A_1 = arith.constant 10 : i32
    %mul3A_2 = arith.muli %add3A, %mul3A_1 : i32
    %mul3A_3 = arith.constant 640 : i32
    %mul3A_4 = arith.muli %mul3A_2, %mul3A_3 : i32
    "tpu.region"() ({
      %run_scoped3A = tpu.sem_alloc : memref<!tpu.dma_semaphore, #tpu.memory_space<semaphore_mem>>
      %dma_start3A_211 = arith.constant 0 : i32
      %dma_start3A_212 = arith.constant 0 : i32
      %dma_start3A_213 = tpu.memref_slice %arg5[%dma_start3A_211, %dma_start3A_212] : memref<10x640xi32, #tpu.memory_space<vmem>> -> memref<1x640xi32, #tpu.memory_space<vmem>>
      %dma_start3A_214 = arith.constant 0 : i32
      %dma_start3A_215 = arith.constant 0 : i32
      %dma_start3A_216 = tpu.memref_slice %arg2[%add3A, %dma_start3A_214, %dma_start3A_215] : memref<32x10x640xi32, #tpu.memory_space<hbm>> -> memref<1x1x640xi32, #tpu.memory_space<hbm>>
      %dma_start3A_217 = tpu.memref_squeeze %dma_start3A_216 : memref<1x1x640xi32, #tpu.memory_space<hbm>> -> memref<1x640xi32, #tpu.memory_space<hbm>>
      %dma_start3A_218 = arith.constant 0 : i32
      %dma_start3A_219 = arith.constant 0 : i32
      %dma_start3A_220 = tpu.memref_slice %arg5[%dma_start3A_218, %dma_start3A_219] : memref<10x640xi32, #tpu.memory_space<vmem>> -> memref<1x640xi32, #tpu.memory_space<vmem>>
      %dma_start3A_221 = arith.constant 0 : i32
      %dma_start3A_222 = arith.constant 0 : i32
      %dma_start3A_223 = tpu.memref_slice %arg2[%add3A, %dma_start3A_221, %dma_start3A_222] : memref<32x10x640xi32, #tpu.memory_space<hbm>> -> memref<1x1x640xi32, #tpu.memory_space<hbm>>
      %dma_start3A_224 = tpu.memref_squeeze %dma_start3A_223 : memref<1x1x640xi32, #tpu.memory_space<hbm>> -> memref<1x640xi32, #tpu.memory_space<hbm>>
      tpu.enqueue_dma source(%dma_start3A_224 : memref<1x640xi32, #tpu.memory_space<hbm>>) target(%dma_start3A_220 : memref<1x640xi32, #tpu.memory_space<vmem>>) target_semaphore(%run_scoped3A : memref<!tpu.dma_semaphore, #tpu.memory_space<semaphore_mem>>)
      %dma_wait3A_225 = arith.constant 0 : i32
      %dma_wait3A_226 = arith.constant 0 : i32
      %dma_wait3A_227 = tpu.memref_slice %arg5[%dma_wait3A_225, %dma_wait3A_226] : memref<10x640xi32, #tpu.memory_space<vmem>> -> memref<1x640xi32, #tpu.memory_space<vmem>>
      %dma_wait3A_228 = arith.constant 0 : i32
      %dma_wait3A_229 = arith.constant 0 : i32
      %dma_wait3A_230 = tpu.memref_slice %arg2[%add3A, %dma_wait3A_228, %dma_wait3A_229] : memref<32x10x640xi32, #tpu.memory_space<hbm>> -> memref<1x1x640xi32, #tpu.memory_space<hbm>>
      %dma_wait3A_231 = tpu.memref_squeeze %dma_wait3A_230 : memref<1x1x640xi32, #tpu.memory_space<hbm>> -> memref<1x640xi32, #tpu.memory_space<hbm>>
      %dma_wait3A_232 = arith.constant 0 : i32
      %dma_wait3A_233 = arith.constant 0 : i32
      %dma_wait3A_234 = tpu.memref_slice %arg5[%dma_wait3A_232, %dma_wait3A_233] : memref<10x640xi32, #tpu.memory_space<vmem>> -> memref<1x640xi32, #tpu.memory_space<vmem>>
      %dma_wait3A_235 = arith.constant 0 : i32
      %dma_wait3A_236 = arith.constant 0 : i32
      %dma_wait3A_237 = tpu.memref_slice %arg2[%add3A, %dma_wait3A_235, %dma_wait3A_236] : memref<32x10x640xi32, #tpu.memory_space<hbm>> -> memref<1x1x640xi32, #tpu.memory_space<hbm>>
      %dma_wait3A_238 = tpu.memref_squeeze %dma_wait3A_237 : memref<1x1x640xi32, #tpu.memory_space<hbm>> -> memref<1x640xi32, #tpu.memory_space<hbm>>
      tpu.wait_dma2 semaphore(%run_scoped3A : memref<!tpu.dma_semaphore, #tpu.memory_space<semaphore_mem>>) src(%dma_wait3A_238 : memref<1x640xi32, #tpu.memory_space<hbm>>) dst(%dma_wait3A_234 : memref<1x640xi32, #tpu.memory_space<vmem>>)
      tpu.yield
    }) : () -> ()
    %dma_start3A = arith.constant 0 : i32
    %dma_start3A_5 = arith.constant 0 : i32
    %dma_start3A_6 = arith.constant 0 : i32
    %dma_start3A_7 = tpu.memref_slice %arg6[%dma_start3A_5, %dma_start3A_6] : memref<640x64xf32, #tpu.memory_space<vmem>> -> memref<128x64xf32, #tpu.memory_space<vmem>>
    %dma_start3A_8 = arith.constant 0 : i32
    %dma_start3A_9 = tpu.memref_slice %arg5[%dma_start3A, %dma_start3A_8] : memref<10x640xi32, #tpu.memory_space<vmem>> -> memref<1x128xi32, #tpu.memory_space<vmem>>
    %dma_start3A_10 = tpu.memref_squeeze %dma_start3A_9 : memref<1x128xi32, #tpu.memory_space<vmem>> -> memref<128xi32, #tpu.memory_space<vmem>>
    %dma_start3A_11 = arith.constant 0 : i32
    %dma_start3A_12 = arith.constant 0 : i32
    %dma_start3A_13 = tpu.memref_slice %arg3[%dma_start3A_11, %dma_start3A_12] : memref<100000x64xf32, #tpu.memory_space<hbm>> -> memref<100000x64xf32, #tpu.memory_space<hbm>>
    tpu.enqueue_indirect_dma source(%dma_start3A_13 : memref<100000x64xf32, #tpu.memory_space<hbm>>) target(%dma_start3A_7 : memref<128x64xf32, #tpu.memory_space<vmem>>) offsets(%dma_start3A_10 : memref<128xi32, #tpu.memory_space<vmem>>) semaphore(%arg8 : memref<!tpu.dma_semaphore, #tpu.memory_space<semaphore_mem>>)
    %dma_start3A_14 = arith.constant 0 : i32
    %dma_start3A_15 = arith.constant 128 : i32
    %dma_start3A_16 = arith.constant 0 : i32
    %dma_start3A_17 = tpu.memref_slice %arg6[%dma_start3A_15, %dma_start3A_16] : memref<640x64xf32, #tpu.memory_space<vmem>> -> memref<128x64xf32, #tpu.memory_space<vmem>>
    %dma_start3A_18 = arith.constant 128 : i32
    %dma_start3A_19 = tpu.memref_slice %arg5[%dma_start3A_14, %dma_start3A_18] : memref<10x640xi32, #tpu.memory_space<vmem>> -> memref<1x128xi32, #tpu.memory_space<vmem>>
    %dma_start3A_20 = tpu.memref_squeeze %dma_start3A_19 : memref<1x128xi32, #tpu.memory_space<vmem>> -> memref<128xi32, #tpu.memory_space<vmem>>
    %dma_start3A_21 = arith.constant 0 : i32
    %dma_start3A_22 = arith.constant 0 : i32
    %dma_start3A_23 = tpu.memref_slice %arg3[%dma_start3A_21, %dma_start3A_22] : memref<100000x64xf32, #tpu.memory_space<hbm>> -> memref<100000x64xf32, #tpu.memory_space<hbm>>
    tpu.enqueue_indirect_dma source(%dma_start3A_23 : memref<100000x64xf32, #tpu.memory_space<hbm>>) target(%dma_start3A_17 : memref<128x64xf32, #tpu.memory_space<vmem>>) offsets(%dma_start3A_20 : memref<128xi32, #tpu.memory_space<vmem>>) semaphore(%arg8 : memref<!tpu.dma_semaphore, #tpu.memory_space<semaphore_mem>>)
    %dma_start3A_24 = arith.constant 0 : i32
    %dma_start3A_25 = arith.constant 256 : i32
    %dma_start3A_26 = arith.constant 0 : i32
    %dma_start3A_27 = tpu.memref_slice %arg6[%dma_start3A_25, %dma_start3A_26] : memref<640x64xf32, #tpu.memory_space<vmem>> -> memref<128x64xf32, #tpu.memory_space<vmem>>
    %dma_start3A_28 = arith.constant 256 : i32
    %dma_start3A_29 = tpu.memref_slice %arg5[%dma_start3A_24, %dma_start3A_28] : memref<10x640xi32, #tpu.memory_space<vmem>> -> memref<1x128xi32, #tpu.memory_space<vmem>>
    %dma_start3A_30 = tpu.memref_squeeze %dma_start3A_29 : memref<1x128xi32, #tpu.memory_space<vmem>> -> memref<128xi32, #tpu.memory_space<vmem>>
    %dma_start3A_31 = arith.constant 0 : i32
    %dma_start3A_32 = arith.constant 0 : i32
    %dma_start3A_33 = tpu.memref_slice %arg3[%dma_start3A_31, %dma_start3A_32] : memref<100000x64xf32, #tpu.memory_space<hbm>> -> memref<100000x64xf32, #tpu.memory_space<hbm>>
    tpu.enqueue_indirect_dma source(%dma_start3A_33 : memref<100000x64xf32, #tpu.memory_space<hbm>>) target(%dma_start3A_27 : memref<128x64xf32, #tpu.memory_space<vmem>>) offsets(%dma_start3A_30 : memref<128xi32, #tpu.memory_space<vmem>>) semaphore(%arg8 : memref<!tpu.dma_semaphore, #tpu.memory_space<semaphore_mem>>)
    %dma_start3A_34 = arith.constant 0 : i32
    %dma_start3A_35 = arith.constant 384 : i32
    %dma_start3A_36 = arith.constant 0 : i32
    %dma_start3A_37 = tpu.memref_slice %arg6[%dma_start3A_35, %dma_start3A_36] : memref<640x64xf32, #tpu.memory_space<vmem>> -> memref<128x64xf32, #tpu.memory_space<vmem>>
    %dma_start3A_38 = arith.constant 384 : i32
    %dma_start3A_39 = tpu.memref_slice %arg5[%dma_start3A_34, %dma_start3A_38] : memref<10x640xi32, #tpu.memory_space<vmem>> -> memref<1x128xi32, #tpu.memory_space<vmem>>
    %dma_start3A_40 = tpu.memref_squeeze %dma_start3A_39 : memref<1x128xi32, #tpu.memory_space<vmem>> -> memref<128xi32, #tpu.memory_space<vmem>>
    %dma_start3A_41 = arith.constant 0 : i32
    %dma_start3A_42 = arith.constant 0 : i32
    %dma_start3A_43 = tpu.memref_slice %arg3[%dma_start3A_41, %dma_start3A_42] : memref<100000x64xf32, #tpu.memory_space<hbm>> -> memref<100000x64xf32, #tpu.memory_space<hbm>>
    tpu.enqueue_indirect_dma source(%dma_start3A_43 : memref<100000x64xf32, #tpu.memory_space<hbm>>) target(%dma_start3A_37 : memref<128x64xf32, #tpu.memory_space<vmem>>) offsets(%dma_start3A_40 : memref<128xi32, #tpu.memory_space<vmem>>) semaphore(%arg8 : memref<!tpu.dma_semaphore, #tpu.memory_space<semaphore_mem>>)
    %dma_start3A_44 = arith.constant 0 : i32
    %dma_start3A_45 = arith.constant 512 : i32
    %dma_start3A_46 = arith.constant 0 : i32
    %dma_start3A_47 = tpu.memref_slice %arg6[%dma_start3A_45, %dma_start3A_46] : memref<640x64xf32, #tpu.memory_space<vmem>> -> memref<128x64xf32, #tpu.memory_space<vmem>>
    %dma_start3A_48 = arith.constant 512 : i32
    %dma_start3A_49 = tpu.memref_slice %arg5[%dma_start3A_44, %dma_start3A_48] : memref<10x640xi32, #tpu.memory_space<vmem>> -> memref<1x128xi32, #tpu.memory_space<vmem>>
    %dma_start3A_50 = tpu.memref_squeeze %dma_start3A_49 : memref<1x128xi32, #tpu.memory_space<vmem>> -> memref<128xi32, #tpu.memory_space<vmem>>
    %dma_start3A_51 = arith.constant 0 : i32
    %dma_start3A_52 = arith.constant 0 : i32
    %dma_start3A_53 = tpu.memref_slice %arg3[%dma_start3A_51, %dma_start3A_52] : memref<100000x64xf32, #tpu.memory_space<hbm>> -> memref<100000x64xf32, #tpu.memory_space<hbm>>
    tpu.enqueue_indirect_dma source(%dma_start3A_53 : memref<100000x64xf32, #tpu.memory_space<hbm>>) target(%dma_start3A_47 : memref<128x64xf32, #tpu.memory_space<vmem>>) offsets(%dma_start3A_50 : memref<128xi32, #tpu.memory_space<vmem>>) semaphore(%arg8 : memref<!tpu.dma_semaphore, #tpu.memory_space<semaphore_mem>>)
    "tpu.region"() ({
      %run_scoped3A = tpu.sem_alloc : memref<!tpu.dma_semaphore, #tpu.memory_space<semaphore_mem>>
      %dma_start3A_211 = arith.constant 1 : i32
      %dma_start3A_212 = arith.constant 0 : i32
      %dma_start3A_213 = tpu.memref_slice %arg5[%dma_start3A_211, %dma_start3A_212] : memref<10x640xi32, #tpu.memory_space<vmem>> -> memref<9x640xi32, #tpu.memory_space<vmem>>
      %dma_start3A_214 = arith.constant 1 : i32
      %dma_start3A_215 = arith.constant 0 : i32
      %dma_start3A_216 = tpu.memref_slice %arg2[%add3A, %dma_start3A_214, %dma_start3A_215] : memref<32x10x640xi32, #tpu.memory_space<hbm>> -> memref<1x9x640xi32, #tpu.memory_space<hbm>>
      %dma_start3A_217 = tpu.memref_squeeze %dma_start3A_216 : memref<1x9x640xi32, #tpu.memory_space<hbm>> -> memref<9x640xi32, #tpu.memory_space<hbm>>
      %dma_start3A_218 = arith.constant 1 : i32
      %dma_start3A_219 = arith.constant 0 : i32
      %dma_start3A_220 = tpu.memref_slice %arg5[%dma_start3A_218, %dma_start3A_219] : memref<10x640xi32, #tpu.memory_space<vmem>> -> memref<9x640xi32, #tpu.memory_space<vmem>>
      %dma_start3A_221 = arith.constant 1 : i32
      %dma_start3A_222 = arith.constant 0 : i32
      %dma_start3A_223 = tpu.memref_slice %arg2[%add3A, %dma_start3A_221, %dma_start3A_222] : memref<32x10x640xi32, #tpu.memory_space<hbm>> -> memref<1x9x640xi32, #tpu.memory_space<hbm>>
      %dma_start3A_224 = tpu.memref_squeeze %dma_start3A_223 : memref<1x9x640xi32, #tpu.memory_space<hbm>> -> memref<9x640xi32, #tpu.memory_space<hbm>>
      tpu.enqueue_dma source(%dma_start3A_224 : memref<9x640xi32, #tpu.memory_space<hbm>>) target(%dma_start3A_220 : memref<9x640xi32, #tpu.memory_space<vmem>>) target_semaphore(%run_scoped3A : memref<!tpu.dma_semaphore, #tpu.memory_space<semaphore_mem>>)
      %dma_wait3A_225 = arith.constant 1 : i32
      %dma_wait3A_226 = arith.constant 0 : i32
      %dma_wait3A_227 = tpu.memref_slice %arg5[%dma_wait3A_225, %dma_wait3A_226] : memref<10x640xi32, #tpu.memory_space<vmem>> -> memref<9x640xi32, #tpu.memory_space<vmem>>
      %dma_wait3A_228 = arith.constant 1 : i32
      %dma_wait3A_229 = arith.constant 0 : i32
      %dma_wait3A_230 = tpu.memref_slice %arg2[%add3A, %dma_wait3A_228, %dma_wait3A_229] : memref<32x10x640xi32, #tpu.memory_space<hbm>> -> memref<1x9x640xi32, #tpu.memory_space<hbm>>
      %dma_wait3A_231 = tpu.memref_squeeze %dma_wait3A_230 : memref<1x9x640xi32, #tpu.memory_space<hbm>> -> memref<9x640xi32, #tpu.memory_space<hbm>>
      %dma_wait3A_232 = arith.constant 1 : i32
      %dma_wait3A_233 = arith.constant 0 : i32
      %dma_wait3A_234 = tpu.memref_slice %arg5[%dma_wait3A_232, %dma_wait3A_233] : memref<10x640xi32, #tpu.memory_space<vmem>> -> memref<9x640xi32, #tpu.memory_space<vmem>>
      %dma_wait3A_235 = arith.constant 1 : i32
      %dma_wait3A_236 = arith.constant 0 : i32
      %dma_wait3A_237 = tpu.memref_slice %arg2[%add3A, %dma_wait3A_235, %dma_wait3A_236] : memref<32x10x640xi32, #tpu.memory_space<hbm>> -> memref<1x9x640xi32, #tpu.memory_space<hbm>>
      %dma_wait3A_238 = tpu.memref_squeeze %dma_wait3A_237 : memref<1x9x640xi32, #tpu.memory_space<hbm>> -> memref<9x640xi32, #tpu.memory_space<hbm>>
      tpu.wait_dma2 semaphore(%run_scoped3A : memref<!tpu.dma_semaphore, #tpu.memory_space<semaphore_mem>>) src(%dma_wait3A_238 : memref<9x640xi32, #tpu.memory_space<hbm>>) dst(%dma_wait3A_234 : memref<9x640xi32, #tpu.memory_space<vmem>>)
      tpu.yield
    }) : () -> ()
    %scan3A = arith.constant 0 : i32
    %scan3A_54 = arith.constant 4 : i32
    %scan3A_55 = arith.addi %scan3A, %scan3A_54 : i32
    %scan3A_56 = arith.constant 1 : i32
    scf.for %scan3A_211 = %scan3A to %scan3A_55 step %scan3A_56  : i32 {
      %mul3A_212 = arith.constant 1 : i32
      %mul3A_213 = arith.muli %scan3A_211, %mul3A_212 : i32
      %add3A_214 = arith.constant 0 : i32
      %add3A_215 = arith.addi %add3A_214, %mul3A_213 : i32
      %mul3A_216 = arith.constant 2 : i32
      %mul3A_217 = arith.muli %add3A_215, %mul3A_216 : i32
      %dma_wait3A_218 = arith.constant 0 : i32
      %dma_wait3A_219 = arith.constant 0 : i32
      %dma_wait3A_220 = arith.constant 0 : i32
      %dma_wait3A_221 = tpu.memref_slice %arg6[%dma_wait3A_219, %dma_wait3A_220] : memref<640x64xf32, #tpu.memory_space<vmem>> -> memref<128x64xf32, #tpu.memory_space<vmem>>
      %dma_wait3A_222 = arith.constant 0 : i32
      %dma_wait3A_223 = tpu.memref_slice %arg5[%dma_wait3A_218, %dma_wait3A_222] : memref<10x640xi32, #tpu.memory_space<vmem>> -> memref<1x128xi32, #tpu.memory_space<vmem>>
      %dma_wait3A_224 = tpu.memref_squeeze %dma_wait3A_223 : memref<1x128xi32, #tpu.memory_space<vmem>> -> memref<128xi32, #tpu.memory_space<vmem>>
      %dma_wait3A_225 = arith.constant 0 : i32
      %dma_wait3A_226 = arith.constant 0 : i32
      %dma_wait3A_227 = tpu.memref_slice %arg3[%dma_wait3A_225, %dma_wait3A_226] : memref<100000x64xf32, #tpu.memory_space<hbm>> -> memref<100000x64xf32, #tpu.memory_space<hbm>>
      tpu.wait_indirect_dma semaphore(%arg8 : memref<!tpu.dma_semaphore, #tpu.memory_space<semaphore_mem>>) src(%dma_wait3A_227 : memref<100000x64xf32, #tpu.memory_space<hbm>>) dst(%dma_wait3A_221 : memref<128x64xf32, #tpu.memory_space<vmem>>)
      %dma_wait3A_228 = arith.constant 0 : i32
      %dma_wait3A_229 = arith.constant 128 : i32
      %dma_wait3A_230 = arith.constant 0 : i32
      %dma_wait3A_231 = tpu.memref_slice %arg6[%dma_wait3A_229, %dma_wait3A_230] : memref<640x64xf32, #tpu.memory_space<vmem>> -> memref<128x64xf32, #tpu.memory_space<vmem>>
      %dma_wait3A_232 = arith.constant 128 : i32
      %dma_wait3A_233 = tpu.memref_slice %arg5[%dma_wait3A_228, %dma_wait3A_232] : memref<10x640xi32, #tpu.memory_space<vmem>> -> memref<1x128xi32, #tpu.memory_space<vmem>>
      %dma_wait3A_234 = tpu.memref_squeeze %dma_wait3A_233 : memref<1x128xi32, #tpu.memory_space<vmem>> -> memref<128xi32, #tpu.memory_space<vmem>>
      %dma_wait3A_235 = arith.constant 0 : i32
      %dma_wait3A_236 = arith.constant 0 : i32
      %dma_wait3A_237 = tpu.memref_slice %arg3[%dma_wait3A_235, %dma_wait3A_236] : memref<100000x64xf32, #tpu.memory_space<hbm>> -> memref<100000x64xf32, #tpu.memory_space<hbm>>
      tpu.wait_indirect_dma semaphore(%arg8 : memref<!tpu.dma_semaphore, #tpu.memory_space<semaphore_mem>>) src(%dma_wait3A_237 : memref<100000x64xf32, #tpu.memory_space<hbm>>) dst(%dma_wait3A_231 : memref<128x64xf32, #tpu.memory_space<vmem>>)
      %dma_wait3A_238 = arith.constant 0 : i32
      %dma_wait3A_239 = arith.constant 256 : i32
      %dma_wait3A_240 = arith.constant 0 : i32
      %dma_wait3A_241 = tpu.memref_slice %arg6[%dma_wait3A_239, %dma_wait3A_240] : memref<640x64xf32, #tpu.memory_space<vmem>> -> memref<128x64xf32, #tpu.memory_space<vmem>>
      %dma_wait3A_242 = arith.constant 256 : i32
      %dma_wait3A_243 = tpu.memref_slice %arg5[%dma_wait3A_238, %dma_wait3A_242] : memref<10x640xi32, #tpu.memory_space<vmem>> -> memref<1x128xi32, #tpu.memory_space<vmem>>
      %dma_wait3A_244 = tpu.memref_squeeze %dma_wait3A_243 : memref<1x128xi32, #tpu.memory_space<vmem>> -> memref<128xi32, #tpu.memory_space<vmem>>
      %dma_wait3A_245 = arith.constant 0 : i32
      %dma_wait3A_246 = arith.constant 0 : i32
      %dma_wait3A_247 = tpu.memref_slice %arg3[%dma_wait3A_245, %dma_wait3A_246] : memref<100000x64xf32, #tpu.memory_space<hbm>> -> memref<100000x64xf32, #tpu.memory_space<hbm>>
      tpu.wait_indirect_dma semaphore(%arg8 : memref<!tpu.dma_semaphore, #tpu.memory_space<semaphore_mem>>) src(%dma_wait3A_247 : memref<100000x64xf32, #tpu.memory_space<hbm>>) dst(%dma_wait3A_241 : memref<128x64xf32, #tpu.memory_space<vmem>>)
      %dma_wait3A_248 = arith.constant 0 : i32
      %dma_wait3A_249 = arith.constant 384 : i32
      %dma_wait3A_250 = arith.constant 0 : i32
      %dma_wait3A_251 = tpu.memref_slice %arg6[%dma_wait3A_249, %dma_wait3A_250] : memref<640x64xf32, #tpu.memory_space<vmem>> -> memref<128x64xf32, #tpu.memory_space<vmem>>
      %dma_wait3A_252 = arith.constant 384 : i32
      %dma_wait3A_253 = tpu.memref_slice %arg5[%dma_wait3A_248, %dma_wait3A_252] : memref<10x640xi32, #tpu.memory_space<vmem>> -> memref<1x128xi32, #tpu.memory_space<vmem>>
      %dma_wait3A_254 = tpu.memref_squeeze %dma_wait3A_253 : memref<1x128xi32, #tpu.memory_space<vmem>> -> memref<128xi32, #tpu.memory_space<vmem>>
      %dma_wait3A_255 = arith.constant 0 : i32
      %dma_wait3A_256 = arith.constant 0 : i32
      %dma_wait3A_257 = tpu.memref_slice %arg3[%dma_wait3A_255, %dma_wait3A_256] : memref<100000x64xf32, #tpu.memory_space<hbm>> -> memref<100000x64xf32, #tpu.memory_space<hbm>>
      tpu.wait_indirect_dma semaphore(%arg8 : memref<!tpu.dma_semaphore, #tpu.memory_space<semaphore_mem>>) src(%dma_wait3A_257 : memref<100000x64xf32, #tpu.memory_space<hbm>>) dst(%dma_wait3A_251 : memref<128x64xf32, #tpu.memory_space<vmem>>)
      %dma_wait3A_258 = arith.constant 0 : i32
      %dma_wait3A_259 = arith.constant 512 : i32
      %dma_wait3A_260 = arith.constant 0 : i32
      %dma_wait3A_261 = tpu.memref_slice %arg6[%dma_wait3A_259, %dma_wait3A_260] : memref<640x64xf32, #tpu.memory_space<vmem>> -> memref<128x64xf32, #tpu.memory_space<vmem>>
      %dma_wait3A_262 = arith.constant 512 : i32
      %dma_wait3A_263 = tpu.memref_slice %arg5[%dma_wait3A_258, %dma_wait3A_262] : memref<10x640xi32, #tpu.memory_space<vmem>> -> memref<1x128xi32, #tpu.memory_space<vmem>>
      %dma_wait3A_264 = tpu.memref_squeeze %dma_wait3A_263 : memref<1x128xi32, #tpu.memory_space<vmem>> -> memref<128xi32, #tpu.memory_space<vmem>>
      %dma_wait3A_265 = arith.constant 0 : i32
      %dma_wait3A_266 = arith.constant 0 : i32
      %dma_wait3A_267 = tpu.memref_slice %arg3[%dma_wait3A_265, %dma_wait3A_266] : memref<100000x64xf32, #tpu.memory_space<hbm>> -> memref<100000x64xf32, #tpu.memory_space<hbm>>
      tpu.wait_indirect_dma semaphore(%arg8 : memref<!tpu.dma_semaphore, #tpu.memory_space<semaphore_mem>>) src(%dma_wait3A_267 : memref<100000x64xf32, #tpu.memory_space<hbm>>) dst(%dma_wait3A_261 : memref<128x64xf32, #tpu.memory_space<vmem>>)
      %add3A_268 = arith.constant 1 : i32
      %add3A_269 = arith.addi %mul3A_217, %add3A_268 : i32
      %dma_start3A_270 = arith.constant 0 : i32
      %dma_start3A_271 = arith.constant 0 : i32
      %dma_start3A_272 = tpu.memref_slice %arg7[%dma_start3A_270, %dma_start3A_271] : memref<640x64xf32, #tpu.memory_space<vmem>> -> memref<128x64xf32, #tpu.memory_space<vmem>>
      %dma_start3A_273 = arith.constant 0 : i32
      %dma_start3A_274 = tpu.memref_slice %arg5[%add3A_269, %dma_start3A_273] : memref<10x640xi32, #tpu.memory_space<vmem>> -> memref<1x128xi32, #tpu.memory_space<vmem>>
      %dma_start3A_275 = tpu.memref_squeeze %dma_start3A_274 : memref<1x128xi32, #tpu.memory_space<vmem>> -> memref<128xi32, #tpu.memory_space<vmem>>
      %dma_start3A_276 = arith.constant 0 : i32
      %dma_start3A_277 = arith.constant 0 : i32
      %dma_start3A_278 = tpu.memref_slice %arg3[%dma_start3A_276, %dma_start3A_277] : memref<100000x64xf32, #tpu.memory_space<hbm>> -> memref<100000x64xf32, #tpu.memory_space<hbm>>
      tpu.enqueue_indirect_dma source(%dma_start3A_278 : memref<100000x64xf32, #tpu.memory_space<hbm>>) target(%dma_start3A_272 : memref<128x64xf32, #tpu.memory_space<vmem>>) offsets(%dma_start3A_275 : memref<128xi32, #tpu.memory_space<vmem>>) semaphore(%arg9 : memref<!tpu.dma_semaphore, #tpu.memory_space<semaphore_mem>>)
      %dma_start3A_279 = arith.constant 128 : i32
      %dma_start3A_280 = arith.constant 0 : i32
      %dma_start3A_281 = tpu.memref_slice %arg7[%dma_start3A_279, %dma_start3A_280] : memref<640x64xf32, #tpu.memory_space<vmem>> -> memref<128x64xf32, #tpu.memory_space<vmem>>
      %dma_start3A_282 = arith.constant 128 : i32
      %dma_start3A_283 = tpu.memref_slice %arg5[%add3A_269, %dma_start3A_282] : memref<10x640xi32, #tpu.memory_space<vmem>> -> memref<1x128xi32, #tpu.memory_space<vmem>>
      %dma_start3A_284 = tpu.memref_squeeze %dma_start3A_283 : memref<1x128xi32, #tpu.memory_space<vmem>> -> memref<128xi32, #tpu.memory_space<vmem>>
      %dma_start3A_285 = arith.constant 0 : i32
      %dma_start3A_286 = arith.constant 0 : i32
      %dma_start3A_287 = tpu.memref_slice %arg3[%dma_start3A_285, %dma_start3A_286] : memref<100000x64xf32, #tpu.memory_space<hbm>> -> memref<100000x64xf32, #tpu.memory_space<hbm>>
      tpu.enqueue_indirect_dma source(%dma_start3A_287 : memref<100000x64xf32, #tpu.memory_space<hbm>>) target(%dma_start3A_281 : memref<128x64xf32, #tpu.memory_space<vmem>>) offsets(%dma_start3A_284 : memref<128xi32, #tpu.memory_space<vmem>>) semaphore(%arg9 : memref<!tpu.dma_semaphore, #tpu.memory_space<semaphore_mem>>)
      %dma_start3A_288 = arith.constant 256 : i32
      %dma_start3A_289 = arith.constant 0 : i32
      %dma_start3A_290 = tpu.memref_slice %arg7[%dma_start3A_288, %dma_start3A_289] : memref<640x64xf32, #tpu.memory_space<vmem>> -> memref<128x64xf32, #tpu.memory_space<vmem>>
      %dma_start3A_291 = arith.constant 256 : i32
      %dma_start3A_292 = tpu.memref_slice %arg5[%add3A_269, %dma_start3A_291] : memref<10x640xi32, #tpu.memory_space<vmem>> -> memref<1x128xi32, #tpu.memory_space<vmem>>
      %dma_start3A_293 = tpu.memref_squeeze %dma_start3A_292 : memref<1x128xi32, #tpu.memory_space<vmem>> -> memref<128xi32, #tpu.memory_space<vmem>>
      %dma_start3A_294 = arith.constant 0 : i32
      %dma_start3A_295 = arith.constant 0 : i32
      %dma_start3A_296 = tpu.memref_slice %arg3[%dma_start3A_294, %dma_start3A_295] : memref<100000x64xf32, #tpu.memory_space<hbm>> -> memref<100000x64xf32, #tpu.memory_space<hbm>>
      tpu.enqueue_indirect_dma source(%dma_start3A_296 : memref<100000x64xf32, #tpu.memory_space<hbm>>) target(%dma_start3A_290 : memref<128x64xf32, #tpu.memory_space<vmem>>) offsets(%dma_start3A_293 : memref<128xi32, #tpu.memory_space<vmem>>) semaphore(%arg9 : memref<!tpu.dma_semaphore, #tpu.memory_space<semaphore_mem>>)
      %dma_start3A_297 = arith.constant 384 : i32
      %dma_start3A_298 = arith.constant 0 : i32
      %dma_start3A_299 = tpu.memref_slice %arg7[%dma_start3A_297, %dma_start3A_298] : memref<640x64xf32, #tpu.memory_space<vmem>> -> memref<128x64xf32, #tpu.memory_space<vmem>>
      %dma_start3A_300 = arith.constant 384 : i32
      %dma_start3A_301 = tpu.memref_slice %arg5[%add3A_269, %dma_start3A_300] : memref<10x640xi32, #tpu.memory_space<vmem>> -> memref<1x128xi32, #tpu.memory_space<vmem>>
      %dma_start3A_302 = tpu.memref_squeeze %dma_start3A_301 : memref<1x128xi32, #tpu.memory_space<vmem>> -> memref<128xi32, #tpu.memory_space<vmem>>
      %dma_start3A_303 = arith.constant 0 : i32
      %dma_start3A_304 = arith.constant 0 : i32
      %dma_start3A_305 = tpu.memref_slice %arg3[%dma_start3A_303, %dma_start3A_304] : memref<100000x64xf32, #tpu.memory_space<hbm>> -> memref<100000x64xf32, #tpu.memory_space<hbm>>
      tpu.enqueue_indirect_dma source(%dma_start3A_305 : memref<100000x64xf32, #tpu.memory_space<hbm>>) target(%dma_start3A_299 : memref<128x64xf32, #tpu.memory_space<vmem>>) offsets(%dma_start3A_302 : memref<128xi32, #tpu.memory_space<vmem>>) semaphore(%arg9 : memref<!tpu.dma_semaphore, #tpu.memory_space<semaphore_mem>>)
      %dma_start3A_306 = arith.constant 512 : i32
      %dma_start3A_307 = arith.constant 0 : i32
      %dma_start3A_308 = tpu.memref_slice %arg7[%dma_start3A_306, %dma_start3A_307] : memref<640x64xf32, #tpu.memory_space<vmem>> -> memref<128x64xf32, #tpu.memory_space<vmem>>
      %dma_start3A_309 = arith.constant 512 : i32
      %dma_start3A_310 = tpu.memref_slice %arg5[%add3A_269, %dma_start3A_309] : memref<10x640xi32, #tpu.memory_space<vmem>> -> memref<1x128xi32, #tpu.memory_space<vmem>>
      %dma_start3A_311 = tpu.memref_squeeze %dma_start3A_310 : memref<1x128xi32, #tpu.memory_space<vmem>> -> memref<128xi32, #tpu.memory_space<vmem>>
      %dma_start3A_312 = arith.constant 0 : i32
      %dma_start3A_313 = arith.constant 0 : i32
      %dma_start3A_314 = tpu.memref_slice %arg3[%dma_start3A_312, %dma_start3A_313] : memref<100000x64xf32, #tpu.memory_space<hbm>> -> memref<100000x64xf32, #tpu.memory_space<hbm>>
      tpu.enqueue_indirect_dma source(%dma_start3A_314 : memref<100000x64xf32, #tpu.memory_space<hbm>>) target(%dma_start3A_308 : memref<128x64xf32, #tpu.memory_space<vmem>>) offsets(%dma_start3A_311 : memref<128xi32, #tpu.memory_space<vmem>>) semaphore(%arg9 : memref<!tpu.dma_semaphore, #tpu.memory_space<semaphore_mem>>)
      %mul3A_315 = arith.constant 640 : i32
      %mul3A_316 = arith.muli %mul3A_217, %mul3A_315 : i32
      %add3A_317 = arith.addi %mul3A_4, %mul3A_316 : i32
      "tpu.region"() ({
        %run_scoped3A = tpu.sem_alloc : memref<!tpu.dma_semaphore, #tpu.memory_space<semaphore_mem>>
        %dma_start3A_420 = arith.constant 0 : i32
        %dma_start3A_421 = tpu.memref_slice %arg4[%add3A_317, %dma_start3A_420] : memref<204800x64xf32, #tpu.memory_space<hbm>> -> memref<640x64xf32, #tpu.memory_space<hbm>>
        %dma_start3A_422 = arith.constant 0 : i32
        %dma_start3A_423 = tpu.memref_slice %arg4[%add3A_317, %dma_start3A_422] : memref<204800x64xf32, #tpu.memory_space<hbm>> -> memref<640x64xf32, #tpu.memory_space<hbm>>
        tpu.enqueue_dma source(%arg6 : memref<640x64xf32, #tpu.memory_space<vmem>>) target(%dma_start3A_423 : memref<640x64xf32, #tpu.memory_space<hbm>>) target_semaphore(%run_scoped3A : memref<!tpu.dma_semaphore, #tpu.memory_space<semaphore_mem>>)
        %dma_wait3A_424 = arith.constant 0 : i32
        %dma_wait3A_425 = tpu.memref_slice %arg4[%add3A_317, %dma_wait3A_424] : memref<204800x64xf32, #tpu.memory_space<hbm>> -> memref<640x64xf32, #tpu.memory_space<hbm>>
        %dma_wait3A_426 = arith.constant 0 : i32
        %dma_wait3A_427 = tpu.memref_slice %arg4[%add3A_317, %dma_wait3A_426] : memref<204800x64xf32, #tpu.memory_space<hbm>> -> memref<640x64xf32, #tpu.memory_space<hbm>>
        tpu.wait_dma2 semaphore(%run_scoped3A : memref<!tpu.dma_semaphore, #tpu.memory_space<semaphore_mem>>) src(%arg6 : memref<640x64xf32, #tpu.memory_space<vmem>>) dst(%dma_wait3A_427 : memref<640x64xf32, #tpu.memory_space<hbm>>)
        tpu.yield
      }) : () -> ()
      %dma_wait3A_318 = arith.constant 0 : i32
      %dma_wait3A_319 = arith.constant 0 : i32
      %dma_wait3A_320 = arith.constant 0 : i32
      %dma_wait3A_321 = tpu.memref_slice %arg7[%dma_wait3A_319, %dma_wait3A_320] : memref<640x64xf32, #tpu.memory_space<vmem>> -> memref<128x64xf32, #tpu.memory_space<vmem>>
      %dma_wait3A_322 = arith.constant 0 : i32
      %dma_wait3A_323 = tpu.memref_slice %arg5[%dma_wait3A_318, %dma_wait3A_322] : memref<10x640xi32, #tpu.memory_space<vmem>> -> memref<1x128xi32, #tpu.memory_space<vmem>>
      %dma_wait3A_324 = tpu.memref_squeeze %dma_wait3A_323 : memref<1x128xi32, #tpu.memory_space<vmem>> -> memref<128xi32, #tpu.memory_space<vmem>>
      %dma_wait3A_325 = arith.constant 0 : i32
      %dma_wait3A_326 = arith.constant 0 : i32
      %dma_wait3A_327 = tpu.memref_slice %arg3[%dma_wait3A_325, %dma_wait3A_326] : memref<100000x64xf32, #tpu.memory_space<hbm>> -> memref<100000x64xf32, #tpu.memory_space<hbm>>
      tpu.wait_indirect_dma semaphore(%arg9 : memref<!tpu.dma_semaphore, #tpu.memory_space<semaphore_mem>>) src(%dma_wait3A_327 : memref<100000x64xf32, #tpu.memory_space<hbm>>) dst(%dma_wait3A_321 : memref<128x64xf32, #tpu.memory_space<vmem>>)
      %dma_wait3A_328 = arith.constant 0 : i32
      %dma_wait3A_329 = arith.constant 128 : i32
      %dma_wait3A_330 = arith.constant 0 : i32
      %dma_wait3A_331 = tpu.memref_slice %arg7[%dma_wait3A_329, %dma_wait3A_330] : memref<640x64xf32, #tpu.memory_space<vmem>> -> memref<128x64xf32, #tpu.memory_space<vmem>>
      %dma_wait3A_332 = arith.constant 128 : i32
      %dma_wait3A_333 = tpu.memref_slice %arg5[%dma_wait3A_328, %dma_wait3A_332] : memref<10x640xi32, #tpu.memory_space<vmem>> -> memref<1x128xi32, #tpu.memory_space<vmem>>
      %dma_wait3A_334 = tpu.memref_squeeze %dma_wait3A_333 : memref<1x128xi32, #tpu.memory_space<vmem>> -> memref<128xi32, #tpu.memory_space<vmem>>
      %dma_wait3A_335 = arith.constant 0 : i32
      %dma_wait3A_336 = arith.constant 0 : i32
      %dma_wait3A_337 = tpu.memref_slice %arg3[%dma_wait3A_335, %dma_wait3A_336] : memref<100000x64xf32, #tpu.memory_space<hbm>> -> memref<100000x64xf32, #tpu.memory_space<hbm>>
      tpu.wait_indirect_dma semaphore(%arg9 : memref<!tpu.dma_semaphore, #tpu.memory_space<semaphore_mem>>) src(%dma_wait3A_337 : memref<100000x64xf32, #tpu.memory_space<hbm>>) dst(%dma_wait3A_331 : memref<128x64xf32, #tpu.memory_space<vmem>>)
      %dma_wait3A_338 = arith.constant 0 : i32
      %dma_wait3A_339 = arith.constant 256 : i32
      %dma_wait3A_340 = arith.constant 0 : i32
      %dma_wait3A_341 = tpu.memref_slice %arg7[%dma_wait3A_339, %dma_wait3A_340] : memref<640x64xf32, #tpu.memory_space<vmem>> -> memref<128x64xf32, #tpu.memory_space<vmem>>
      %dma_wait3A_342 = arith.constant 256 : i32
      %dma_wait3A_343 = tpu.memref_slice %arg5[%dma_wait3A_338, %dma_wait3A_342] : memref<10x640xi32, #tpu.memory_space<vmem>> -> memref<1x128xi32, #tpu.memory_space<vmem>>
      %dma_wait3A_344 = tpu.memref_squeeze %dma_wait3A_343 : memref<1x128xi32, #tpu.memory_space<vmem>> -> memref<128xi32, #tpu.memory_space<vmem>>
      %dma_wait3A_345 = arith.constant 0 : i32
      %dma_wait3A_346 = arith.constant 0 : i32
      %dma_wait3A_347 = tpu.memref_slice %arg3[%dma_wait3A_345, %dma_wait3A_346] : memref<100000x64xf32, #tpu.memory_space<hbm>> -> memref<100000x64xf32, #tpu.memory_space<hbm>>
      tpu.wait_indirect_dma semaphore(%arg9 : memref<!tpu.dma_semaphore, #tpu.memory_space<semaphore_mem>>) src(%dma_wait3A_347 : memref<100000x64xf32, #tpu.memory_space<hbm>>) dst(%dma_wait3A_341 : memref<128x64xf32, #tpu.memory_space<vmem>>)
      %dma_wait3A_348 = arith.constant 0 : i32
      %dma_wait3A_349 = arith.constant 384 : i32
      %dma_wait3A_350 = arith.constant 0 : i32
      %dma_wait3A_351 = tpu.memref_slice %arg7[%dma_wait3A_349, %dma_wait3A_350] : memref<640x64xf32, #tpu.memory_space<vmem>> -> memref<128x64xf32, #tpu.memory_space<vmem>>
      %dma_wait3A_352 = arith.constant 384 : i32
      %dma_wait3A_353 = tpu.memref_slice %arg5[%dma_wait3A_348, %dma_wait3A_352] : memref<10x640xi32, #tpu.memory_space<vmem>> -> memref<1x128xi32, #tpu.memory_space<vmem>>
      %dma_wait3A_354 = tpu.memref_squeeze %dma_wait3A_353 : memref<1x128xi32, #tpu.memory_space<vmem>> -> memref<128xi32, #tpu.memory_space<vmem>>
      %dma_wait3A_355 = arith.constant 0 : i32
      %dma_wait3A_356 = arith.constant 0 : i32
      %dma_wait3A_357 = tpu.memref_slice %arg3[%dma_wait3A_355, %dma_wait3A_356] : memref<100000x64xf32, #tpu.memory_space<hbm>> -> memref<100000x64xf32, #tpu.memory_space<hbm>>
      tpu.wait_indirect_dma semaphore(%arg9 : memref<!tpu.dma_semaphore, #tpu.memory_space<semaphore_mem>>) src(%dma_wait3A_357 : memref<100000x64xf32, #tpu.memory_space<hbm>>) dst(%dma_wait3A_351 : memref<128x64xf32, #tpu.memory_space<vmem>>)
      %dma_wait3A_358 = arith.constant 0 : i32
      %dma_wait3A_359 = arith.constant 512 : i32
      %dma_wait3A_360 = arith.constant 0 : i32
      %dma_wait3A_361 = tpu.memref_slice %arg7[%dma_wait3A_359, %dma_wait3A_360] : memref<640x64xf32, #tpu.memory_space<vmem>> -> memref<128x64xf32, #tpu.memory_space<vmem>>
      %dma_wait3A_362 = arith.constant 512 : i32
      %dma_wait3A_363 = tpu.memref_slice %arg5[%dma_wait3A_358, %dma_wait3A_362] : memref<10x640xi32, #tpu.memory_space<vmem>> -> memref<1x128xi32, #tpu.memory_space<vmem>>
      %dma_wait3A_364 = tpu.memref_squeeze %dma_wait3A_363 : memref<1x128xi32, #tpu.memory_space<vmem>> -> memref<128xi32, #tpu.memory_space<vmem>>
      %dma_wait3A_365 = arith.constant 0 : i32
      %dma_wait3A_366 = arith.constant 0 : i32
      %dma_wait3A_367 = tpu.memref_slice %arg3[%dma_wait3A_365, %dma_wait3A_366] : memref<100000x64xf32, #tpu.memory_space<hbm>> -> memref<100000x64xf32, #tpu.memory_space<hbm>>
      tpu.wait_indirect_dma semaphore(%arg9 : memref<!tpu.dma_semaphore, #tpu.memory_space<semaphore_mem>>) src(%dma_wait3A_367 : memref<100000x64xf32, #tpu.memory_space<hbm>>) dst(%dma_wait3A_361 : memref<128x64xf32, #tpu.memory_space<vmem>>)
      %add3A_368 = arith.constant 2 : i32
      %add3A_369 = arith.addi %mul3A_217, %add3A_368 : i32
      %dma_start3A_370 = arith.constant 0 : i32
      %dma_start3A_371 = arith.constant 0 : i32
      %dma_start3A_372 = tpu.memref_slice %arg6[%dma_start3A_370, %dma_start3A_371] : memref<640x64xf32, #tpu.memory_space<vmem>> -> memref<128x64xf32, #tpu.memory_space<vmem>>
      %dma_start3A_373 = arith.constant 0 : i32
      %dma_start3A_374 = tpu.memref_slice %arg5[%add3A_369, %dma_start3A_373] : memref<10x640xi32, #tpu.memory_space<vmem>> -> memref<1x128xi32, #tpu.memory_space<vmem>>
      %dma_start3A_375 = tpu.memref_squeeze %dma_start3A_374 : memref<1x128xi32, #tpu.memory_space<vmem>> -> memref<128xi32, #tpu.memory_space<vmem>>
      %dma_start3A_376 = arith.constant 0 : i32
      %dma_start3A_377 = arith.constant 0 : i32
      %dma_start3A_378 = tpu.memref_slice %arg3[%dma_start3A_376, %dma_start3A_377] : memref<100000x64xf32, #tpu.memory_space<hbm>> -> memref<100000x64xf32, #tpu.memory_space<hbm>>
      tpu.enqueue_indirect_dma source(%dma_start3A_378 : memref<100000x64xf32, #tpu.memory_space<hbm>>) target(%dma_start3A_372 : memref<128x64xf32, #tpu.memory_space<vmem>>) offsets(%dma_start3A_375 : memref<128xi32, #tpu.memory_space<vmem>>) semaphore(%arg8 : memref<!tpu.dma_semaphore, #tpu.memory_space<semaphore_mem>>)
      %dma_start3A_379 = arith.constant 128 : i32
      %dma_start3A_380 = arith.constant 0 : i32
      %dma_start3A_381 = tpu.memref_slice %arg6[%dma_start3A_379, %dma_start3A_380] : memref<640x64xf32, #tpu.memory_space<vmem>> -> memref<128x64xf32, #tpu.memory_space<vmem>>
      %dma_start3A_382 = arith.constant 128 : i32
      %dma_start3A_383 = tpu.memref_slice %arg5[%add3A_369, %dma_start3A_382] : memref<10x640xi32, #tpu.memory_space<vmem>> -> memref<1x128xi32, #tpu.memory_space<vmem>>
      %dma_start3A_384 = tpu.memref_squeeze %dma_start3A_383 : memref<1x128xi32, #tpu.memory_space<vmem>> -> memref<128xi32, #tpu.memory_space<vmem>>
      %dma_start3A_385 = arith.constant 0 : i32
      %dma_start3A_386 = arith.constant 0 : i32
      %dma_start3A_387 = tpu.memref_slice %arg3[%dma_start3A_385, %dma_start3A_386] : memref<100000x64xf32, #tpu.memory_space<hbm>> -> memref<100000x64xf32, #tpu.memory_space<hbm>>
      tpu.enqueue_indirect_dma source(%dma_start3A_387 : memref<100000x64xf32, #tpu.memory_space<hbm>>) target(%dma_start3A_381 : memref<128x64xf32, #tpu.memory_space<vmem>>) offsets(%dma_start3A_384 : memref<128xi32, #tpu.memory_space<vmem>>) semaphore(%arg8 : memref<!tpu.dma_semaphore, #tpu.memory_space<semaphore_mem>>)
      %dma_start3A_388 = arith.constant 256 : i32
      %dma_start3A_389 = arith.constant 0 : i32
      %dma_start3A_390 = tpu.memref_slice %arg6[%dma_start3A_388, %dma_start3A_389] : memref<640x64xf32, #tpu.memory_space<vmem>> -> memref<128x64xf32, #tpu.memory_space<vmem>>
      %dma_start3A_391 = arith.constant 256 : i32
      %dma_start3A_392 = tpu.memref_slice %arg5[%add3A_369, %dma_start3A_391] : memref<10x640xi32, #tpu.memory_space<vmem>> -> memref<1x128xi32, #tpu.memory_space<vmem>>
      %dma_start3A_393 = tpu.memref_squeeze %dma_start3A_392 : memref<1x128xi32, #tpu.memory_space<vmem>> -> memref<128xi32, #tpu.memory_space<vmem>>
      %dma_start3A_394 = arith.constant 0 : i32
      %dma_start3A_395 = arith.constant 0 : i32
      %dma_start3A_396 = tpu.memref_slice %arg3[%dma_start3A_394, %dma_start3A_395] : memref<100000x64xf32, #tpu.memory_space<hbm>> -> memref<100000x64xf32, #tpu.memory_space<hbm>>
      tpu.enqueue_indirect_dma source(%dma_start3A_396 : memref<100000x64xf32, #tpu.memory_space<hbm>>) target(%dma_start3A_390 : memref<128x64xf32, #tpu.memory_space<vmem>>) offsets(%dma_start3A_393 : memref<128xi32, #tpu.memory_space<vmem>>) semaphore(%arg8 : memref<!tpu.dma_semaphore, #tpu.memory_space<semaphore_mem>>)
      %dma_start3A_397 = arith.constant 384 : i32
      %dma_start3A_398 = arith.constant 0 : i32
      %dma_start3A_399 = tpu.memref_slice %arg6[%dma_start3A_397, %dma_start3A_398] : memref<640x64xf32, #tpu.memory_space<vmem>> -> memref<128x64xf32, #tpu.memory_space<vmem>>
      %dma_start3A_400 = arith.constant 384 : i32
      %dma_start3A_401 = tpu.memref_slice %arg5[%add3A_369, %dma_start3A_400] : memref<10x640xi32, #tpu.memory_space<vmem>> -> memref<1x128xi32, #tpu.memory_space<vmem>>
      %dma_start3A_402 = tpu.memref_squeeze %dma_start3A_401 : memref<1x128xi32, #tpu.memory_space<vmem>> -> memref<128xi32, #tpu.memory_space<vmem>>
      %dma_start3A_403 = arith.constant 0 : i32
      %dma_start3A_404 = arith.constant 0 : i32
      %dma_start3A_405 = tpu.memref_slice %arg3[%dma_start3A_403, %dma_start3A_404] : memref<100000x64xf32, #tpu.memory_space<hbm>> -> memref<100000x64xf32, #tpu.memory_space<hbm>>
      tpu.enqueue_indirect_dma source(%dma_start3A_405 : memref<100000x64xf32, #tpu.memory_space<hbm>>) target(%dma_start3A_399 : memref<128x64xf32, #tpu.memory_space<vmem>>) offsets(%dma_start3A_402 : memref<128xi32, #tpu.memory_space<vmem>>) semaphore(%arg8 : memref<!tpu.dma_semaphore, #tpu.memory_space<semaphore_mem>>)
      %dma_start3A_406 = arith.constant 512 : i32
      %dma_start3A_407 = arith.constant 0 : i32
      %dma_start3A_408 = tpu.memref_slice %arg6[%dma_start3A_406, %dma_start3A_407] : memref<640x64xf32, #tpu.memory_space<vmem>> -> memref<128x64xf32, #tpu.memory_space<vmem>>
      %dma_start3A_409 = arith.constant 512 : i32
      %dma_start3A_410 = tpu.memref_slice %arg5[%add3A_369, %dma_start3A_409] : memref<10x640xi32, #tpu.memory_space<vmem>> -> memref<1x128xi32, #tpu.memory_space<vmem>>
      %dma_start3A_411 = tpu.memref_squeeze %dma_start3A_410 : memref<1x128xi32, #tpu.memory_space<vmem>> -> memref<128xi32, #tpu.memory_space<vmem>>
      %dma_start3A_412 = arith.constant 0 : i32
      %dma_start3A_413 = arith.constant 0 : i32
      %dma_start3A_414 = tpu.memref_slice %arg3[%dma_start3A_412, %dma_start3A_413] : memref<100000x64xf32, #tpu.memory_space<hbm>> -> memref<100000x64xf32, #tpu.memory_space<hbm>>
      tpu.enqueue_indirect_dma source(%dma_start3A_414 : memref<100000x64xf32, #tpu.memory_space<hbm>>) target(%dma_start3A_408 : memref<128x64xf32, #tpu.memory_space<vmem>>) offsets(%dma_start3A_411 : memref<128xi32, #tpu.memory_space<vmem>>) semaphore(%arg8 : memref<!tpu.dma_semaphore, #tpu.memory_space<semaphore_mem>>)
      %add3A_415 = arith.constant 1 : i32
      %add3A_416 = arith.addi %mul3A_217, %add3A_415 : i32
      %mul3A_417 = arith.constant 640 : i32
      %mul3A_418 = arith.muli %add3A_416, %mul3A_417 : i32
      %add3A_419 = arith.addi %mul3A_4, %mul3A_418 : i32
      "tpu.region"() ({
        %run_scoped3A = tpu.sem_alloc : memref<!tpu.dma_semaphore, #tpu.memory_space<semaphore_mem>>
        %dma_start3A_420 = arith.constant 0 : i32
        %dma_start3A_421 = tpu.memref_slice %arg4[%add3A_419, %dma_start3A_420] : memref<204800x64xf32, #tpu.memory_space<hbm>> -> memref<640x64xf32, #tpu.memory_space<hbm>>
        %dma_start3A_422 = arith.constant 0 : i32
        %dma_start3A_423 = tpu.memref_slice %arg4[%add3A_419, %dma_start3A_422] : memref<204800x64xf32, #tpu.memory_space<hbm>> -> memref<640x64xf32, #tpu.memory_space<hbm>>
        tpu.enqueue_dma source(%arg7 : memref<640x64xf32, #tpu.memory_space<vmem>>) target(%dma_start3A_423 : memref<640x64xf32, #tpu.memory_space<hbm>>) target_semaphore(%run_scoped3A : memref<!tpu.dma_semaphore, #tpu.memory_space<semaphore_mem>>)
        %dma_wait3A_424 = arith.constant 0 : i32
        %dma_wait3A_425 = tpu.memref_slice %arg4[%add3A_419, %dma_wait3A_424] : memref<204800x64xf32, #tpu.memory_space<hbm>> -> memref<640x64xf32, #tpu.memory_space<hbm>>
        %dma_wait3A_426 = arith.constant 0 : i32
        %dma_wait3A_427 = tpu.memref_slice %arg4[%add3A_419, %dma_wait3A_426] : memref<204800x64xf32, #tpu.memory_space<hbm>> -> memref<640x64xf32, #tpu.memory_space<hbm>>
        tpu.wait_dma2 semaphore(%run_scoped3A : memref<!tpu.dma_semaphore, #tpu.memory_space<semaphore_mem>>) src(%arg7 : memref<640x64xf32, #tpu.memory_space<vmem>>) dst(%dma_wait3A_427 : memref<640x64xf32, #tpu.memory_space<hbm>>)
        tpu.yield
      }) : () -> ()
    }
    %scan3A_57 = arith.constant 4 : i32
    %dma_wait3A = arith.constant 0 : i32
    %dma_wait3A_58 = arith.constant 0 : i32
    %dma_wait3A_59 = arith.constant 0 : i32
    %dma_wait3A_60 = tpu.memref_slice %arg6[%dma_wait3A_58, %dma_wait3A_59] : memref<640x64xf32, #tpu.memory_space<vmem>> -> memref<128x64xf32, #tpu.memory_space<vmem>>
    %dma_wait3A_61 = arith.constant 0 : i32
    %dma_wait3A_62 = tpu.memref_slice %arg5[%dma_wait3A, %dma_wait3A_61] : memref<10x640xi32, #tpu.memory_space<vmem>> -> memref<1x128xi32, #tpu.memory_space<vmem>>
    %dma_wait3A_63 = tpu.memref_squeeze %dma_wait3A_62 : memref<1x128xi32, #tpu.memory_space<vmem>> -> memref<128xi32, #tpu.memory_space<vmem>>
    %dma_wait3A_64 = arith.constant 0 : i32
    %dma_wait3A_65 = arith.constant 0 : i32
    %dma_wait3A_66 = tpu.memref_slice %arg3[%dma_wait3A_64, %dma_wait3A_65] : memref<100000x64xf32, #tpu.memory_space<hbm>> -> memref<100000x64xf32, #tpu.memory_space<hbm>>
    tpu.wait_indirect_dma semaphore(%arg8 : memref<!tpu.dma_semaphore, #tpu.memory_space<semaphore_mem>>) src(%dma_wait3A_66 : memref<100000x64xf32, #tpu.memory_space<hbm>>) dst(%dma_wait3A_60 : memref<128x64xf32, #tpu.memory_space<vmem>>)
    %dma_wait3A_67 = arith.constant 0 : i32
    %dma_wait3A_68 = arith.constant 128 : i32
    %dma_wait3A_69 = arith.constant 0 : i32
    %dma_wait3A_70 = tpu.memref_slice %arg6[%dma_wait3A_68, %dma_wait3A_69] : memref<640x64xf32, #tpu.memory_space<vmem>> -> memref<128x64xf32, #tpu.memory_space<vmem>>
    %dma_wait3A_71 = arith.constant 128 : i32
    %dma_wait3A_72 = tpu.memref_slice %arg5[%dma_wait3A_67, %dma_wait3A_71] : memref<10x640xi32, #tpu.memory_space<vmem>> -> memref<1x128xi32, #tpu.memory_space<vmem>>
    %dma_wait3A_73 = tpu.memref_squeeze %dma_wait3A_72 : memref<1x128xi32, #tpu.memory_space<vmem>> -> memref<128xi32, #tpu.memory_space<vmem>>
    %dma_wait3A_74 = arith.constant 0 : i32
    %dma_wait3A_75 = arith.constant 0 : i32
    %dma_wait3A_76 = tpu.memref_slice %arg3[%dma_wait3A_74, %dma_wait3A_75] : memref<100000x64xf32, #tpu.memory_space<hbm>> -> memref<100000x64xf32, #tpu.memory_space<hbm>>
    tpu.wait_indirect_dma semaphore(%arg8 : memref<!tpu.dma_semaphore, #tpu.memory_space<semaphore_mem>>) src(%dma_wait3A_76 : memref<100000x64xf32, #tpu.memory_space<hbm>>) dst(%dma_wait3A_70 : memref<128x64xf32, #tpu.memory_space<vmem>>)
    %dma_wait3A_77 = arith.constant 0 : i32
    %dma_wait3A_78 = arith.constant 256 : i32
    %dma_wait3A_79 = arith.constant 0 : i32
    %dma_wait3A_80 = tpu.memref_slice %arg6[%dma_wait3A_78, %dma_wait3A_79] : memref<640x64xf32, #tpu.memory_space<vmem>> -> memref<128x64xf32, #tpu.memory_space<vmem>>
    %dma_wait3A_81 = arith.constant 256 : i32
    %dma_wait3A_82 = tpu.memref_slice %arg5[%dma_wait3A_77, %dma_wait3A_81] : memref<10x640xi32, #tpu.memory_space<vmem>> -> memref<1x128xi32, #tpu.memory_space<vmem>>
    %dma_wait3A_83 = tpu.memref_squeeze %dma_wait3A_82 : memref<1x128xi32, #tpu.memory_space<vmem>> -> memref<128xi32, #tpu.memory_space<vmem>>
    %dma_wait3A_84 = arith.constant 0 : i32
    %dma_wait3A_85 = arith.constant 0 : i32
    %dma_wait3A_86 = tpu.memref_slice %arg3[%dma_wait3A_84, %dma_wait3A_85] : memref<100000x64xf32, #tpu.memory_space<hbm>> -> memref<100000x64xf32, #tpu.memory_space<hbm>>
    tpu.wait_indirect_dma semaphore(%arg8 : memref<!tpu.dma_semaphore, #tpu.memory_space<semaphore_mem>>) src(%dma_wait3A_86 : memref<100000x64xf32, #tpu.memory_space<hbm>>) dst(%dma_wait3A_80 : memref<128x64xf32, #tpu.memory_space<vmem>>)
    %dma_wait3A_87 = arith.constant 0 : i32
    %dma_wait3A_88 = arith.constant 384 : i32
    %dma_wait3A_89 = arith.constant 0 : i32
    %dma_wait3A_90 = tpu.memref_slice %arg6[%dma_wait3A_88, %dma_wait3A_89] : memref<640x64xf32, #tpu.memory_space<vmem>> -> memref<128x64xf32, #tpu.memory_space<vmem>>
    %dma_wait3A_91 = arith.constant 384 : i32
    %dma_wait3A_92 = tpu.memref_slice %arg5[%dma_wait3A_87, %dma_wait3A_91] : memref<10x640xi32, #tpu.memory_space<vmem>> -> memref<1x128xi32, #tpu.memory_space<vmem>>
    %dma_wait3A_93 = tpu.memref_squeeze %dma_wait3A_92 : memref<1x128xi32, #tpu.memory_space<vmem>> -> memref<128xi32, #tpu.memory_space<vmem>>
    %dma_wait3A_94 = arith.constant 0 : i32
    %dma_wait3A_95 = arith.constant 0 : i32
    %dma_wait3A_96 = tpu.memref_slice %arg3[%dma_wait3A_94, %dma_wait3A_95] : memref<100000x64xf32, #tpu.memory_space<hbm>> -> memref<100000x64xf32, #tpu.memory_space<hbm>>
    tpu.wait_indirect_dma semaphore(%arg8 : memref<!tpu.dma_semaphore, #tpu.memory_space<semaphore_mem>>) src(%dma_wait3A_96 : memref<100000x64xf32, #tpu.memory_space<hbm>>) dst(%dma_wait3A_90 : memref<128x64xf32, #tpu.memory_space<vmem>>)
    %dma_wait3A_97 = arith.constant 0 : i32
    %dma_wait3A_98 = arith.constant 512 : i32
    %dma_wait3A_99 = arith.constant 0 : i32
    %dma_wait3A_100 = tpu.memref_slice %arg6[%dma_wait3A_98, %dma_wait3A_99] : memref<640x64xf32, #tpu.memory_space<vmem>> -> memref<128x64xf32, #tpu.memory_space<vmem>>
    %dma_wait3A_101 = arith.constant 512 : i32
    %dma_wait3A_102 = tpu.memref_slice %arg5[%dma_wait3A_97, %dma_wait3A_101] : memref<10x640xi32, #tpu.memory_space<vmem>> -> memref<1x128xi32, #tpu.memory_space<vmem>>
    %dma_wait3A_103 = tpu.memref_squeeze %dma_wait3A_102 : memref<1x128xi32, #tpu.memory_space<vmem>> -> memref<128xi32, #tpu.memory_space<vmem>>
    %dma_wait3A_104 = arith.constant 0 : i32
    %dma_wait3A_105 = arith.constant 0 : i32
    %dma_wait3A_106 = tpu.memref_slice %arg3[%dma_wait3A_104, %dma_wait3A_105] : memref<100000x64xf32, #tpu.memory_space<hbm>> -> memref<100000x64xf32, #tpu.memory_space<hbm>>
    tpu.wait_indirect_dma semaphore(%arg8 : memref<!tpu.dma_semaphore, #tpu.memory_space<semaphore_mem>>) src(%dma_wait3A_106 : memref<100000x64xf32, #tpu.memory_space<hbm>>) dst(%dma_wait3A_100 : memref<128x64xf32, #tpu.memory_space<vmem>>)
    %dma_start3A_107 = arith.constant 9 : i32
    %dma_start3A_108 = arith.constant 0 : i32
    %dma_start3A_109 = arith.constant 0 : i32
    %dma_start3A_110 = tpu.memref_slice %arg7[%dma_start3A_108, %dma_start3A_109] : memref<640x64xf32, #tpu.memory_space<vmem>> -> memref<128x64xf32, #tpu.memory_space<vmem>>
    %dma_start3A_111 = arith.constant 0 : i32
    %dma_start3A_112 = tpu.memref_slice %arg5[%dma_start3A_107, %dma_start3A_111] : memref<10x640xi32, #tpu.memory_space<vmem>> -> memref<1x128xi32, #tpu.memory_space<vmem>>
    %dma_start3A_113 = tpu.memref_squeeze %dma_start3A_112 : memref<1x128xi32, #tpu.memory_space<vmem>> -> memref<128xi32, #tpu.memory_space<vmem>>
    %dma_start3A_114 = arith.constant 0 : i32
    %dma_start3A_115 = arith.constant 0 : i32
    %dma_start3A_116 = tpu.memref_slice %arg3[%dma_start3A_114, %dma_start3A_115] : memref<100000x64xf32, #tpu.memory_space<hbm>> -> memref<100000x64xf32, #tpu.memory_space<hbm>>
    tpu.enqueue_indirect_dma source(%dma_start3A_116 : memref<100000x64xf32, #tpu.memory_space<hbm>>) target(%dma_start3A_110 : memref<128x64xf32, #tpu.memory_space<vmem>>) offsets(%dma_start3A_113 : memref<128xi32, #tpu.memory_space<vmem>>) semaphore(%arg9 : memref<!tpu.dma_semaphore, #tpu.memory_space<semaphore_mem>>)
    %dma_start3A_117 = arith.constant 9 : i32
    %dma_start3A_118 = arith.constant 128 : i32
    %dma_start3A_119 = arith.constant 0 : i32
    %dma_start3A_120 = tpu.memref_slice %arg7[%dma_start3A_118, %dma_start3A_119] : memref<640x64xf32, #tpu.memory_space<vmem>> -> memref<128x64xf32, #tpu.memory_space<vmem>>
    %dma_start3A_121 = arith.constant 128 : i32
    %dma_start3A_122 = tpu.memref_slice %arg5[%dma_start3A_117, %dma_start3A_121] : memref<10x640xi32, #tpu.memory_space<vmem>> -> memref<1x128xi32, #tpu.memory_space<vmem>>
    %dma_start3A_123 = tpu.memref_squeeze %dma_start3A_122 : memref<1x128xi32, #tpu.memory_space<vmem>> -> memref<128xi32, #tpu.memory_space<vmem>>
    %dma_start3A_124 = arith.constant 0 : i32
    %dma_start3A_125 = arith.constant 0 : i32
    %dma_start3A_126 = tpu.memref_slice %arg3[%dma_start3A_124, %dma_start3A_125] : memref<100000x64xf32, #tpu.memory_space<hbm>> -> memref<100000x64xf32, #tpu.memory_space<hbm>>
    tpu.enqueue_indirect_dma source(%dma_start3A_126 : memref<100000x64xf32, #tpu.memory_space<hbm>>) target(%dma_start3A_120 : memref<128x64xf32, #tpu.memory_space<vmem>>) offsets(%dma_start3A_123 : memref<128xi32, #tpu.memory_space<vmem>>) semaphore(%arg9 : memref<!tpu.dma_semaphore, #tpu.memory_space<semaphore_mem>>)
    %dma_start3A_127 = arith.constant 9 : i32
    %dma_start3A_128 = arith.constant 256 : i32
    %dma_start3A_129 = arith.constant 0 : i32
    %dma_start3A_130 = tpu.memref_slice %arg7[%dma_start3A_128, %dma_start3A_129] : memref<640x64xf32, #tpu.memory_space<vmem>> -> memref<128x64xf32, #tpu.memory_space<vmem>>
    %dma_start3A_131 = arith.constant 256 : i32
    %dma_start3A_132 = tpu.memref_slice %arg5[%dma_start3A_127, %dma_start3A_131] : memref<10x640xi32, #tpu.memory_space<vmem>> -> memref<1x128xi32, #tpu.memory_space<vmem>>
    %dma_start3A_133 = tpu.memref_squeeze %dma_start3A_132 : memref<1x128xi32, #tpu.memory_space<vmem>> -> memref<128xi32, #tpu.memory_space<vmem>>
    %dma_start3A_134 = arith.constant 0 : i32
    %dma_start3A_135 = arith.constant 0 : i32
    %dma_start3A_136 = tpu.memref_slice %arg3[%dma_start3A_134, %dma_start3A_135] : memref<100000x64xf32, #tpu.memory_space<hbm>> -> memref<100000x64xf32, #tpu.memory_space<hbm>>
    tpu.enqueue_indirect_dma source(%dma_start3A_136 : memref<100000x64xf32, #tpu.memory_space<hbm>>) target(%dma_start3A_130 : memref<128x64xf32, #tpu.memory_space<vmem>>) offsets(%dma_start3A_133 : memref<128xi32, #tpu.memory_space<vmem>>) semaphore(%arg9 : memref<!tpu.dma_semaphore, #tpu.memory_space<semaphore_mem>>)
    %dma_start3A_137 = arith.constant 9 : i32
    %dma_start3A_138 = arith.constant 384 : i32
    %dma_start3A_139 = arith.constant 0 : i32
    %dma_start3A_140 = tpu.memref_slice %arg7[%dma_start3A_138, %dma_start3A_139] : memref<640x64xf32, #tpu.memory_space<vmem>> -> memref<128x64xf32, #tpu.memory_space<vmem>>
    %dma_start3A_141 = arith.constant 384 : i32
    %dma_start3A_142 = tpu.memref_slice %arg5[%dma_start3A_137, %dma_start3A_141] : memref<10x640xi32, #tpu.memory_space<vmem>> -> memref<1x128xi32, #tpu.memory_space<vmem>>
    %dma_start3A_143 = tpu.memref_squeeze %dma_start3A_142 : memref<1x128xi32, #tpu.memory_space<vmem>> -> memref<128xi32, #tpu.memory_space<vmem>>
    %dma_start3A_144 = arith.constant 0 : i32
    %dma_start3A_145 = arith.constant 0 : i32
    %dma_start3A_146 = tpu.memref_slice %arg3[%dma_start3A_144, %dma_start3A_145] : memref<100000x64xf32, #tpu.memory_space<hbm>> -> memref<100000x64xf32, #tpu.memory_space<hbm>>
    tpu.enqueue_indirect_dma source(%dma_start3A_146 : memref<100000x64xf32, #tpu.memory_space<hbm>>) target(%dma_start3A_140 : memref<128x64xf32, #tpu.memory_space<vmem>>) offsets(%dma_start3A_143 : memref<128xi32, #tpu.memory_space<vmem>>) semaphore(%arg9 : memref<!tpu.dma_semaphore, #tpu.memory_space<semaphore_mem>>)
    %dma_start3A_147 = arith.constant 9 : i32
    %dma_start3A_148 = arith.constant 512 : i32
    %dma_start3A_149 = arith.constant 0 : i32
    %dma_start3A_150 = tpu.memref_slice %arg7[%dma_start3A_148, %dma_start3A_149] : memref<640x64xf32, #tpu.memory_space<vmem>> -> memref<128x64xf32, #tpu.memory_space<vmem>>
    %dma_start3A_151 = arith.constant 512 : i32
    %dma_start3A_152 = tpu.memref_slice %arg5[%dma_start3A_147, %dma_start3A_151] : memref<10x640xi32, #tpu.memory_space<vmem>> -> memref<1x128xi32, #tpu.memory_space<vmem>>
    %dma_start3A_153 = tpu.memref_squeeze %dma_start3A_152 : memref<1x128xi32, #tpu.memory_space<vmem>> -> memref<128xi32, #tpu.memory_space<vmem>>
    %dma_start3A_154 = arith.constant 0 : i32
    %dma_start3A_155 = arith.constant 0 : i32
    %dma_start3A_156 = tpu.memref_slice %arg3[%dma_start3A_154, %dma_start3A_155] : memref<100000x64xf32, #tpu.memory_space<hbm>> -> memref<100000x64xf32, #tpu.memory_space<hbm>>
    tpu.enqueue_indirect_dma source(%dma_start3A_156 : memref<100000x64xf32, #tpu.memory_space<hbm>>) target(%dma_start3A_150 : memref<128x64xf32, #tpu.memory_space<vmem>>) offsets(%dma_start3A_153 : memref<128xi32, #tpu.memory_space<vmem>>) semaphore(%arg9 : memref<!tpu.dma_semaphore, #tpu.memory_space<semaphore_mem>>)
    %add3A_157 = arith.constant 5120 : i32
    %add3A_158 = arith.addi %mul3A_4, %add3A_157 : i32
    "tpu.region"() ({
      %run_scoped3A = tpu.sem_alloc : memref<!tpu.dma_semaphore, #tpu.memory_space<semaphore_mem>>
      %dma_start3A_211 = arith.constant 0 : i32
      %dma_start3A_212 = tpu.memref_slice %arg4[%add3A_158, %dma_start3A_211] : memref<204800x64xf32, #tpu.memory_space<hbm>> -> memref<640x64xf32, #tpu.memory_space<hbm>>
      %dma_start3A_213 = arith.constant 0 : i32
      %dma_start3A_214 = tpu.memref_slice %arg4[%add3A_158, %dma_start3A_213] : memref<204800x64xf32, #tpu.memory_space<hbm>> -> memref<640x64xf32, #tpu.memory_space<hbm>>
      tpu.enqueue_dma source(%arg6 : memref<640x64xf32, #tpu.memory_space<vmem>>) target(%dma_start3A_214 : memref<640x64xf32, #tpu.memory_space<hbm>>) target_semaphore(%run_scoped3A : memref<!tpu.dma_semaphore, #tpu.memory_space<semaphore_mem>>)
      %dma_wait3A_215 = arith.constant 0 : i32
      %dma_wait3A_216 = tpu.memref_slice %arg4[%add3A_158, %dma_wait3A_215] : memref<204800x64xf32, #tpu.memory_space<hbm>> -> memref<640x64xf32, #tpu.memory_space<hbm>>
      %dma_wait3A_217 = arith.constant 0 : i32
      %dma_wait3A_218 = tpu.memref_slice %arg4[%add3A_158, %dma_wait3A_217] : memref<204800x64xf32, #tpu.memory_space<hbm>> -> memref<640x64xf32, #tpu.memory_space<hbm>>
      tpu.wait_dma2 semaphore(%run_scoped3A : memref<!tpu.dma_semaphore, #tpu.memory_space<semaphore_mem>>) src(%arg6 : memref<640x64xf32, #tpu.memory_space<vmem>>) dst(%dma_wait3A_218 : memref<640x64xf32, #tpu.memory_space<hbm>>)
      tpu.yield
    }) : () -> ()
    %dma_wait3A_159 = arith.constant 0 : i32
    %dma_wait3A_160 = arith.constant 0 : i32
    %dma_wait3A_161 = arith.constant 0 : i32
    %dma_wait3A_162 = tpu.memref_slice %arg7[%dma_wait3A_160, %dma_wait3A_161] : memref<640x64xf32, #tpu.memory_space<vmem>> -> memref<128x64xf32, #tpu.memory_space<vmem>>
    %dma_wait3A_163 = arith.constant 0 : i32
    %dma_wait3A_164 = tpu.memref_slice %arg5[%dma_wait3A_159, %dma_wait3A_163] : memref<10x640xi32, #tpu.memory_space<vmem>> -> memref<1x128xi32, #tpu.memory_space<vmem>>
    %dma_wait3A_165 = tpu.memref_squeeze %dma_wait3A_164 : memref<1x128xi32, #tpu.memory_space<vmem>> -> memref<128xi32, #tpu.memory_space<vmem>>
    %dma_wait3A_166 = arith.constant 0 : i32
    %dma_wait3A_167 = arith.constant 0 : i32
    %dma_wait3A_168 = tpu.memref_slice %arg3[%dma_wait3A_166, %dma_wait3A_167] : memref<100000x64xf32, #tpu.memory_space<hbm>> -> memref<100000x64xf32, #tpu.memory_space<hbm>>
    tpu.wait_indirect_dma semaphore(%arg9 : memref<!tpu.dma_semaphore, #tpu.memory_space<semaphore_mem>>) src(%dma_wait3A_168 : memref<100000x64xf32, #tpu.memory_space<hbm>>) dst(%dma_wait3A_162 : memref<128x64xf32, #tpu.memory_space<vmem>>)
    %dma_wait3A_169 = arith.constant 0 : i32
    %dma_wait3A_170 = arith.constant 128 : i32
    %dma_wait3A_171 = arith.constant 0 : i32
    %dma_wait3A_172 = tpu.memref_slice %arg7[%dma_wait3A_170, %dma_wait3A_171] : memref<640x64xf32, #tpu.memory_space<vmem>> -> memref<128x64xf32, #tpu.memory_space<vmem>>
    %dma_wait3A_173 = arith.constant 128 : i32
    %dma_wait3A_174 = tpu.memref_slice %arg5[%dma_wait3A_169, %dma_wait3A_173] : memref<10x640xi32, #tpu.memory_space<vmem>> -> memref<1x128xi32, #tpu.memory_space<vmem>>
    %dma_wait3A_175 = tpu.memref_squeeze %dma_wait3A_174 : memref<1x128xi32, #tpu.memory_space<vmem>> -> memref<128xi32, #tpu.memory_space<vmem>>
    %dma_wait3A_176 = arith.constant 0 : i32
    %dma_wait3A_177 = arith.constant 0 : i32
    %dma_wait3A_178 = tpu.memref_slice %arg3[%dma_wait3A_176, %dma_wait3A_177] : memref<100000x64xf32, #tpu.memory_space<hbm>> -> memref<100000x64xf32, #tpu.memory_space<hbm>>
    tpu.wait_indirect_dma semaphore(%arg9 : memref<!tpu.dma_semaphore, #tpu.memory_space<semaphore_mem>>) src(%dma_wait3A_178 : memref<100000x64xf32, #tpu.memory_space<hbm>>) dst(%dma_wait3A_172 : memref<128x64xf32, #tpu.memory_space<vmem>>)
    %dma_wait3A_179 = arith.constant 0 : i32
    %dma_wait3A_180 = arith.constant 256 : i32
    %dma_wait3A_181 = arith.constant 0 : i32
    %dma_wait3A_182 = tpu.memref_slice %arg7[%dma_wait3A_180, %dma_wait3A_181] : memref<640x64xf32, #tpu.memory_space<vmem>> -> memref<128x64xf32, #tpu.memory_space<vmem>>
    %dma_wait3A_183 = arith.constant 256 : i32
    %dma_wait3A_184 = tpu.memref_slice %arg5[%dma_wait3A_179, %dma_wait3A_183] : memref<10x640xi32, #tpu.memory_space<vmem>> -> memref<1x128xi32, #tpu.memory_space<vmem>>
    %dma_wait3A_185 = tpu.memref_squeeze %dma_wait3A_184 : memref<1x128xi32, #tpu.memory_space<vmem>> -> memref<128xi32, #tpu.memory_space<vmem>>
    %dma_wait3A_186 = arith.constant 0 : i32
    %dma_wait3A_187 = arith.constant 0 : i32
    %dma_wait3A_188 = tpu.memref_slice %arg3[%dma_wait3A_186, %dma_wait3A_187] : memref<100000x64xf32, #tpu.memory_space<hbm>> -> memref<100000x64xf32, #tpu.memory_space<hbm>>
    tpu.wait_indirect_dma semaphore(%arg9 : memref<!tpu.dma_semaphore, #tpu.memory_space<semaphore_mem>>) src(%dma_wait3A_188 : memref<100000x64xf32, #tpu.memory_space<hbm>>) dst(%dma_wait3A_182 : memref<128x64xf32, #tpu.memory_space<vmem>>)
    %dma_wait3A_189 = arith.constant 0 : i32
    %dma_wait3A_190 = arith.constant 384 : i32
    %dma_wait3A_191 = arith.constant 0 : i32
    %dma_wait3A_192 = tpu.memref_slice %arg7[%dma_wait3A_190, %dma_wait3A_191] : memref<640x64xf32, #tpu.memory_space<vmem>> -> memref<128x64xf32, #tpu.memory_space<vmem>>
    %dma_wait3A_193 = arith.constant 384 : i32
    %dma_wait3A_194 = tpu.memref_slice %arg5[%dma_wait3A_189, %dma_wait3A_193] : memref<10x640xi32, #tpu.memory_space<vmem>> -> memref<1x128xi32, #tpu.memory_space<vmem>>
    %dma_wait3A_195 = tpu.memref_squeeze %dma_wait3A_194 : memref<1x128xi32, #tpu.memory_space<vmem>> -> memref<128xi32, #tpu.memory_space<vmem>>
    %dma_wait3A_196 = arith.constant 0 : i32
    %dma_wait3A_197 = arith.constant 0 : i32
    %dma_wait3A_198 = tpu.memref_slice %arg3[%dma_wait3A_196, %dma_wait3A_197] : memref<100000x64xf32, #tpu.memory_space<hbm>> -> memref<100000x64xf32, #tpu.memory_space<hbm>>
    tpu.wait_indirect_dma semaphore(%arg9 : memref<!tpu.dma_semaphore, #tpu.memory_space<semaphore_mem>>) src(%dma_wait3A_198 : memref<100000x64xf32, #tpu.memory_space<hbm>>) dst(%dma_wait3A_192 : memref<128x64xf32, #tpu.memory_space<vmem>>)
    %dma_wait3A_199 = arith.constant 0 : i32
    %dma_wait3A_200 = arith.constant 512 : i32
    %dma_wait3A_201 = arith.constant 0 : i32
    %dma_wait3A_202 = tpu.memref_slice %arg7[%dma_wait3A_200, %dma_wait3A_201] : memref<640x64xf32, #tpu.memory_space<vmem>> -> memref<128x64xf32, #tpu.memory_space<vmem>>
    %dma_wait3A_203 = arith.constant 512 : i32
    %dma_wait3A_204 = tpu.memref_slice %arg5[%dma_wait3A_199, %dma_wait3A_203] : memref<10x640xi32, #tpu.memory_space<vmem>> -> memref<1x128xi32, #tpu.memory_space<vmem>>
    %dma_wait3A_205 = tpu.memref_squeeze %dma_wait3A_204 : memref<1x128xi32, #tpu.memory_space<vmem>> -> memref<128xi32, #tpu.memory_space<vmem>>
    %dma_wait3A_206 = arith.constant 0 : i32
    %dma_wait3A_207 = arith.constant 0 : i32
    %dma_wait3A_208 = tpu.memref_slice %arg3[%dma_wait3A_206, %dma_wait3A_207] : memref<100000x64xf32, #tpu.memory_space<hbm>> -> memref<100000x64xf32, #tpu.memory_space<hbm>>
    tpu.wait_indirect_dma semaphore(%arg9 : memref<!tpu.dma_semaphore, #tpu.memory_space<semaphore_mem>>) src(%dma_wait3A_208 : memref<100000x64xf32, #tpu.memory_space<hbm>>) dst(%dma_wait3A_202 : memref<128x64xf32, #tpu.memory_space<vmem>>)
    %add3A_209 = arith.constant 5760 : i32
    %add3A_210 = arith.addi %mul3A_4, %add3A_209 : i32
    "tpu.region"() ({
      %run_scoped3A = tpu.sem_alloc : memref<!tpu.dma_semaphore, #tpu.memory_space<semaphore_mem>>
      %dma_start3A_211 = arith.constant 0 : i32
      %dma_start3A_212 = tpu.memref_slice %arg4[%add3A_210, %dma_start3A_211] : memref<204800x64xf32, #tpu.memory_space<hbm>> -> memref<640x64xf32, #tpu.memory_space<hbm>>
      %dma_start3A_213 = arith.constant 0 : i32
      %dma_start3A_214 = tpu.memref_slice %arg4[%add3A_210, %dma_start3A_213] : memref<204800x64xf32, #tpu.memory_space<hbm>> -> memref<640x64xf32, #tpu.memory_space<hbm>>
      tpu.enqueue_dma source(%arg7 : memref<640x64xf32, #tpu.memory_space<vmem>>) target(%dma_start3A_214 : memref<640x64xf32, #tpu.memory_space<hbm>>) target_semaphore(%run_scoped3A : memref<!tpu.dma_semaphore, #tpu.memory_space<semaphore_mem>>)
      %dma_wait3A_215 = arith.constant 0 : i32
      %dma_wait3A_216 = tpu.memref_slice %arg4[%add3A_210, %dma_wait3A_215] : memref<204800x64xf32, #tpu.memory_space<hbm>> -> memref<640x64xf32, #tpu.memory_space<hbm>>
      %dma_wait3A_217 = arith.constant 0 : i32
      %dma_wait3A_218 = tpu.memref_slice %arg4[%add3A_210, %dma_wait3A_217] : memref<204800x64xf32, #tpu.memory_space<hbm>> -> memref<640x64xf32, #tpu.memory_space<hbm>>
      tpu.wait_dma2 semaphore(%run_scoped3A : memref<!tpu.dma_semaphore, #tpu.memory_space<semaphore_mem>>) src(%arg7 : memref<640x64xf32, #tpu.memory_space<vmem>>) dst(%dma_wait3A_218 : memref<640x64xf32, #tpu.memory_space<hbm>>)
      tpu.yield
    }) : () -> ()
    return
  }
}

</mosaic_0001>

<sc_bundles>
// kernel: _gather_rows.3.cloned.1.call-start
scs
__scs_entry_jumppad:
0x0: {  	(pc) =	sbr.rel $0x88, $3  }
0x1: {  	(tag) =	ssettag $0x0;
	lr =	simm.s32 $0x1  }
0x2: {  	[smem:$0x3F9F] =	sst lr;
	_ =	strace $0xD0000000  }
0x3: {  	_ = 	snop  }
0x4: {  	_ = 	snop  }
0x5: {  	_ = 	snop  }
0x6: {  	_ = 	snop  }
0x7: {  	_ = 	snop  }
__scs_overlays_trampoline_lowered:
0x8: {  	[smem:$0x3FAE] =	sst s0  }
0x9: {  	[smem:$0x3FAF] =	sst s1  }
0xa: {  	[smem:$0x3FB0] =	sst s2  }
0xb: {  	[smem:$0x3FB1] =	sst s3  }
0xc: {  	[smem:$0x3FB2] =	sst s4  }
0xd: {  	[smem:$0x3FB3] =	sst s5  }
0xe: {  	[smem:$0x3FB4] =	sst s6  }
0xf: {  	[smem:$0x3FB5] =	sst s7  }
0x10: {  	[smem:$0x3FB6] =	sst s8  }
0x11: {  	[smem:$0x3FB7] =	sst s9;
	s0 =	simm.s32 @!p0 $0x0  }
0x12: {  	s1 =	sld [smem:$0x3F9D];
	s0 =	simm.s32 @p0 $0x1  }
0x13: {  	[smem:$0x3FB8] =	sst s0;
	s0 =	simm.s32 @!p1 $0x0  }
0x14: {  	s2 =	sld [smem:$0x3F9C];
	s0 =	simm.s32 @p1 $0x1  }
0x15: {  	[smem:$0x3FB9] =	sst s0;
	s0 =	simm.s32 @!p2 $0x0  }
0x16: {  	s3 =	sld [smem:$0x3FDB];
	s0 =	simm.s32 @p2 $0x1  }
0x17: {  	s4 =	simm.s32 $0x1BF5;
	[smem:$0x3FBB] =	sst s0  }
0x18: {  	s0 =	sld [smem:$0x3F9E];
	_ =	swait.ge [sflag:s4], $0x0  }
0x19: {  	s7 =	sld [smem:$0x3F9F]  }
0x1a: {  	s8 =	sadd.s32 $0xFFFFE003, lr  }
0x1b: {  	s9 =	sadd.s32 $0xFFFFFEF7, lr;
	s5 =	simm.s32 $0xFFFFFFFF;
	p2 =	slt.u32 s8, $0xFFFFF086  }
0x1c: {  	p1 =	slt.u32 s9, $0xF7A;
	s5 =	simm.s32 @!p2 $0x0  }
0x1d: {  	s5 =	simm.s32 @p1 $0x1;
	p0 =	seq.s32 s7, s2  }
0x1e: {  	s7 =	smul.u32 @!p0 $0xF7A, s2;
	p2 =	seq.s32 @!p0 s5, $0x0  }
0x1f: {  	s9 =	smul.u32 $0xF7A, s1;
	s8 =	simm.s32 @!p0 $0x1BF5;
	p2 =	por !p2, p0  }
0x20: {  	[sflag:s8] =	ssyncset.s32 @!p0 $0xFFFFF086;
	s6 =	sadd.s32 @!p0 s3, s7;
	s7 =	simm.s32 @!p0 $0x108  }
0x21: {  	s3 =	sadd.s32 s3, s9;
	s6 =	sadd.s32 @!p0 $0x88, s6;
	s7 =	simm.s32 @p2 $0x1082  }
0x22: {  	[simem:s7], [sflag:s8] =	dma.local @!p0 [hbm:s6], $0xF7A  }
0x23: {  	s9 =	sor.u32 $0xD0000000, s2;
	s6 =	simm.s32 $0x108;
	_ =	swait.ge @!p0 [sflag:s8], $0x0  }
0x24: {  	s3 =	sadd.s32 $0x88, s3;
	s6 =	simm.s32 @!p1 $0x1082;
	[sflag:s4] =	ssyncset.s32 $0xFFFFF086  }
0x25: {  	[simem:s6], [sflag:s4] =	dma.local [hbm:s3], $0xF7A  }
0x26: {  	[smem:$0x3F9F] =	sst s1;
	(tag) =	ssettag s2;
	_ =	strace s9  }
0x27: {  	s1 =	sld [smem:$0x3FAF]  }
0x28: {  	s2 =	sld [smem:$0x3FB0]  }
0x29: {  	s4 =	sld [smem:$0x3FB2]  }
0x2a: {  	p0 =	seq.s32 s5, $0x0;
	s5 =	sld [smem:$0x3FB3]  }
0x2b: {  	s6 =	sld [smem:$0x3FB4]  }
0x2c: {  	s7 =	sld [smem:$0x3FB5]  }
0x2d: {  	s3 =	simm.s32 $0x108;
	s8 =	sld [smem:$0x3FB6]  }
0x2e: {  	s3 =	simm.s32 @!p0 $0x1082;
	s9 =	sld [smem:$0x3FB7]  }
0x2f: {  	lr =	sadd.s32 s0, s3;
	s0 =	sld [smem:$0x3FAE]  }
0x30: {  	s3 =	sld [smem:$0x3FB1]  }
0x31: {  	[smem:$0x3FBA] =	sst s10  }
0x32: {  	s10 =	sld [smem:$0x3FB8];
	_ =	sdelay $0x3  }
0x33: {  	p0 =	seq.s32 s10, $0x1;
	s10 =	sld [smem:$0x3FBA];
	_ =	sdelay $0x3  }
0x34: {  	[smem:$0x3FBA] =	sst s10  }
0x35: {  	s10 =	sld [smem:$0x3FB9];
	_ =	sdelay $0x3  }
0x36: {  	p1 =	seq.s32 s10, $0x1;
	s10 =	sld [smem:$0x3FBA];
	_ =	sdelay $0x3  }
0x37: {  	[smem:$0x3FBA] =	sst s10  }
0x38: {  	s10 =	sld [smem:$0x3FBB]  }
0x39: {  	_ = 	snop;
	(pc) =	sbr.ind lr, $3  }
0x3a: {  	_ = 	snop  }
0x3b: {  	_ = 	snop  }
0x3c: {  	p2 =	seq.s32 s10, $0x1;
	s10 =	sld [smem:$0x3FBA]  }
0x3d: {  	_ =	shalt  }
0x3e: {  	_ =	shalt  }
0x3f: {  	_ =	shalt  }
0x40: {  	_ =	shalt  }
0x41: {  	_ =	shalt  }
0x42: {  	_ =	shalt  }
0x43: {  	_ =	shalt  }
0x44: {  	_ =	shalt  }
0x45: {  	_ =	shalt  }
0x46: {  	_ =	shalt  }
0x47: {  	_ =	shalt  }
0x48: {  	_ =	shalt  }
0x49: {  	_ =	shalt  }
0x4a: {  	_ =	shalt  }
0x4b: {  	_ =	shalt  }
0x4c: {  	_ =	shalt  }
0x4d: {  	_ =	shalt  }
0x4e: {  	_ =	shalt  }
0x4f: {  	_ =	shalt  }
0x50: {  	_ =	shalt  }
0x51: {  	_ =	shalt  }
0x52: {  	_ =	shalt  }
0x53: {  	_ =	shalt  }
0x54: {  	_ =	shalt  }
0x55: {  	_ =	shalt  }
0x56: {  	_ =	shalt  }
0x57: {  	_ =	shalt  }
0x58: {  	_ =	shalt  }
0x59: {  	_ =	shalt  }
0x5a: {  	_ =	shalt  }
0x5b: {  	_ =	shalt  }
0x5c: {  	_ =	shalt  }
0x5d: {  	_ =	shalt  }
0x5e: {  	_ =	shalt  }
0x5f: {  	_ =	shalt  }
0x60: {  	_ =	shalt  }
0x61: {  	_ =	shalt  }
0x62: {  	_ =	shalt  }
0x63: {  	_ =	shalt  }
0x64: {  	_ =	shalt  }
0x65: {  	_ =	shalt  }
0x66: {  	_ =	shalt  }
0x67: {  	_ =	shalt  }
0x68: {  	_ =	shalt  }
0x69: {  	_ =	shalt  }
0x6a: {  	_ =	shalt  }
0x6b: {  	_ =	shalt  }
0x6c: {  	_ =	shalt  }
0x6d: {  	_ =	shalt  }
0x6e: {  	_ =	shalt  }
0x6f: {  	_ =	shalt  }
0x70: {  	_ =	shalt  }
0x71: {  	_ =	shalt  }
0x72: {  	_ =	shalt  }
0x73: {  	_ =	shalt  }
0x74: {  	_ =	shalt  }
0x75: {  	_ =	shalt  }
0x76: {  	_ =	shalt  }
0x77: {  	_ =	shalt  }
0x78: {  	_ =	shalt  }
0x79: {  	_ =	shalt  }
0x7a: {  	_ =	shalt  }
0x7b: {  	_ =	shalt  }
0x7c: {  	_ =	shalt  }
0x7d: {  	_ =	shalt  }
0x7e: {  	_ =	shalt  }
0x7f: {  	_ =	shalt  }
0x80: {  	_ =	shalt  }
0x81: {  	_ =	shalt  }
0x82: {  	_ =	shalt  }
0x83: {  	_ =	shalt  }
0x84: {  	_ =	shalt  }
0x85: {  	_ =	shalt  }
0x86: {  	_ =	shalt  }
0x87: {  	_ =	shalt  }
.Lfunc_end0:
.L_simem_size_0:
called_computation.1_lowered:
.L_overlay_start_0:
0x88: {  	s2 =	sld [smem:$0x3FD9]  }
0x89: {  	s3 =	sld [smem:$0x3FFE];
	_ =	sdelay $0x1  }
0x8a: {  	s1 =	srdreg.scid  }
0x8b: {  	s0 =	sand.u32 $0x1, s1  }
0x8c: {  	s17 =	sshll.u32 s0, $0xA;
	s2 =	sadd.s32 s3, s2  }
0x8d: {  	s2 =	sadd.s32 s2, s17  }
0x8e: {  	[smem:$0x3FC6] =	sst s2  }
0x8f: {  	_ = 	snop  }
0x90: {  	s2 =	sld [smem:$0x3FD0];
	(tm) =	ssettm $0x1  }
0x91: {  	s18 =	sld [smem:$0x3FFB];
	_ =	sdelay $0x3  }
0x92: {  	_ =	strace s18  }
0x93: {  	s3 =	sld [smem:$0x3FFC];
	_ =	sdelay $0x3  }
0x94: {  	_ =	strace s3  }
0x95: {  	s3 =	sld [smem:$0x3FFD];
	_ =	sdelay $0x3  }
0x96: {  	_ =	strace s3  }
0x97: {  	_ =	strace $0x8FFFFFFF  }
0x98: {  	s19 =	sld [smem:$0x3FDB];
	_ =	sdelay $0x1  }
0x99: {  	s4 =	simm.s32 $_scs_section_size  }
0x9a: {  	s5 =	simm.s32 $_size__tile_overlayer_lowered;
	s6 =	simm.s32 $_tile_overlayer_lowered  }
0x9b: {  	s22 =	simm.s32 $0x1BFF;
	s21 =	sshll.u32 s6, $0x1;
	s3 =	sadd.s32 s4, s19  }
0x9c: {  	s7 =	simm.s32 $0x0;
	s20 =	sshll.u32 s5, $0x1;
	s5 =	sadd.s32 s21, s3  }
0x9d: {  	[timem:s7], [sflag:s22] =	dma.local [hbm:s5], s20  }
0x9e: {  	_ =	swait.ge [sflag:s22], s20  }
0x9f: {  	s4 =	ssub.s32 $0x0, s20;
	[sflag:s22] =	ssyncset.done $0x0  }
0xa0: {  	[sflag:s22] =	ssyncadd.s32 s4;
	_ =	sdelay $0x1  }
0xa1: {  	s23 =	simm.s32 $0x1B8B  }
0xa2: {  	_ =	swait.ge [sflag:s23], $0x1  }
0xa3: {  	[sflag:s23] =	ssyncset.done $0x0  }
0xa4: {  	s25 =	simm.s32 $0x1B8E;
	s24 =	sld [smem:$0x3FFE];
	[sflag:s23] =	ssyncadd.s32 $0xFFFFFFFF  }
0xa5: {  	s26 =	simm.s32 $execute0_lowered;
	[smem:$0x3FD2] =	sst s25  }
0xa6: {  	s5 =	sshll.u32 s26, $0x1;
	_ =	strace $0x80000046;
	[dreg:$0x1] =	wrdreg $0xFFFFFFFF  }
0xa7: {  	s28 =	simm.s32 $_size_execute0_lowered;
	s3 =	sadd.s32 s3, s5;
	[dreg:$0x0] =	wrdreg $0x0  }
0xa8: {  	s5 =	sshll.u32 s28, $0x1;
	[dreg:$0x2] =	wrdreg s3  }
0xa9: {  	[dreg:$0x3] =	wrdreg s5  }
0xaa: {  	[dreg:$0x4] =	wrdreg $0xC0  }
0xab: {  	_ =	task [dreg:s7], $0x5FFFF  }
0xac: {  	[dreg:$0x1] =	wrdreg $0xFFFFFFFF  }
0xad: {  	[dreg:$0x0] =	wrdreg $0x60  }
0xae: {  	[dreg:$0x2] =	wrdreg s24  }
0xaf: {  	[dreg:$0x3] =	wrdreg s2  }
0xb0: {  	[dreg:$0x4] =	wrdreg $0x9  }
0xb1: {  	_ =	task.clear_ibuf [dreg:s7], $0x5FFFF;
	_ =	strace $0x90000046  }
0xb2: {  	s29 =	simm.s32 $0x9;
	_ =	strace $0x80000048  }
0xb3: {  	_ =	swait.ge [sflag:s29], $0x1  }
0xb4: {  	[sflag:s29] =	ssyncadd.s32 $0xFFFFFFFF  }
0xb5: {  	_ =	strace $0x90000048  }
0xb6: {  	_ =	sfence  }
0xb7: {  	s30 =	sld [smem:$0x0];
	_ =	sdelay $0x2  }
0xb8: {  	s31 =	sshll.u32 s1, $0xD;
	s1 =	sshrl.u32 s1, $0x2  }
0xb9: {  	s3 =	sand.u32 $0x4000, s31;
	s1 =	sadd.s32 s1, s30  }
0xba: {  	s0 =	sor.u32 s3, s0;
	s1 =	sshll.u32 s1, $0x11  }
0xbb: {  	s0 =	sor.u32 s1, s0  }
0xbc: {  	s0 =	sadd.s32 $0x8F2B, s0  }
0xbd: {  	[sflag:s0] =	ssyncadd.remote.s32 $0x1  }
0xbe: {  	_ =	sfence.sel $0xFFFF  }
0xbf: {  	[dreg:$0x0] =	wrdreg $0xFFFFFFFF;
	(pc) =	sbr.abs _section_cstart, $3  }
0xc0: {  	[dreg:$0x1] =	wrdreg $0xFFFFFFFF  }
0xc1: {  	_ =	task.clear_ibuf [dreg:s7], $0x2FFFF;
	_ =	strace $0x9FFFFFFF  }
0xc2: {  	(tm) =	ssettm $0x7FFFFFFF  }
0xc3: {  	_ =	shalt  }
tec
execute0_lowered:
.L_overlay_start_1:
0x0: {  	(tag) =	ssettag $0x1  }
0x1: {  	s0 =	rddreg [dreg:$0x0];
	s1 =	srdreg.scid  }
0x2: {  	s11 =	stileid.u32;
	s8 =	rddreg [dreg:$0x1]  }
0x3: {  	s2 =	simm.s32 $0x0;
	s12 =	simm.s32 $0x80;
	s13 =	simm.s32 $0x1900  }
0x4: {  	s14 =	simm.s32 $0x3900;
	s16 =	simm.s32 $0x5900;
	s18 =	simm.s32 $0x7900  }
0x5: {  	s20 =	simm.s32 $0x9900;
	s22 =	simm.s32 $0x1;
	s23 =	simm.s32 $0xB900  }
0x6: {  	s28 =	simm.s32 $0x13900;
	s29 =	simm.s32 $0x2;
	s9 =	smul.u32 $0x3200, s11  }
0x7: {  	s1 =	sand.u32 $0x1, s1;
	s3 =	sshll.u32 s11, $0x1;
	s11 =	smul.u32 $0x19000, s11  }
0x8: {  	s15 =	simm.s32 $0x1880;
	[smem:$0x7FF] =	sst s2;
	s10 =	smul.u32 $0x1900, s1  }
0x9: {  	s3 =	sor.u32 s1, s3;
	s5 =	ssub.s32 $0x2, s1;
	s1 =	smul.u32 $0xC800, s1  }
0xa: {  	s17 =	simm.s32 $0x0;
	_ =	strace $0x80000047;
	s4 =	smul.u32 $0x1900, s3  }
0xb: {  	s6 =	smul.u32 $0x64000, s3;
	s24 =	sshrl.u32 s5, $0x1;
	s3 =	sadd.s32 $0x6C00, s0  }
0xc: {  	s31 =	sadd.s32 s11, s8;
	s11 =	simm.s32 $0x3;
	s25 =	ssub.s32 s5, s24  }
0xd: {  	s9 =	sadd.s32 s10, s9;
	s21 =	sadd.s32 s1, s31;
	s24 =	simm.s32 $0xD900  }
0xe: {  	s4 =	sshrl.u32 s4, $0x3;
	s6 =	sshrl.u32 s6, $0x3;
	s9 =	sshll.u32 s9, $0x3  }
0xf: {  	s7 =	sadd.s32 s4, s0;
	s26 =	sadd.s32 s8, s6;
	s9 =	sadd.s32 s8, s9  }
0x10: {  	s8 =	smax.u32 s25, $0x1;
	s25 =	simm.s32 $0xF900;
	s0 =	simm.s32 $0x1800  }
0x11: {  	s4 =	sadd.s32 $0x800, s7;
	s5 =	sadd.s32 $0x850, s7;
	s6 =	sadd.s32 $0xA000, s26  }
0x12: {  	s7 =	sadd.s32 $0xB400, s26;
	s30 =	sadd.s32 $0x1400, s9;
	s26 =	simm.s32 $0x11900  }
.LBB2_1:
0x13: {  	[tilespmem:s2], [sflag:$0x3] =	stream.linear.gather [hbm4b:s4+s2], $0x280, $0x38;
	[tilespmem:$0x15900] =	vst v63  }
0x14: {  	_ =	swait.ge [sflag:s11], $0x280  }
0x15: {  	[sflag:s11] =	ssyncset.done $0x0  }
0x16: {  	[sflag:s11] =	ssyncadd.s32 $0xFFFFFD80  }
0x17: {  	[tilespmem:s13], [sflag:$0x1] =	stream.indirect.gather [hbm4b:s3+s12], $0x40, s2, s12, $0xb8;
	[tilespmem:$0x15900] =	vst v63  }
0x18: {  	_ = 	snop  }
0x19: {  	[tilespmem:s14], [sflag:$0x1] =	stream.indirect.gather [hbm4b:s3+s12], $0x40, s12, s12, $0xb8;
	[tilespmem:$0x15900] =	vst v63  }
0x1a: {  	s1 =	simm.s32 $0x100  }
0x1b: {  	[tilespmem:s16], [sflag:$0x1] =	stream.indirect.gather [hbm4b:s3+s12], $0x40, s1, s12, $0xb8;
	[tilespmem:$0x15900] =	vst v63  }
0x1c: {  	s9 =	simm.s32 $0x180  }
0x1d: {  	[tilespmem:s18], [sflag:$0x1] =	stream.indirect.gather [hbm4b:s3+s12], $0x40, s9, s12, $0xb8;
	[tilespmem:$0x15900] =	vst v63  }
0x1e: {  	s10 =	simm.s32 $0x200  }
0x1f: {  	[tilespmem:s20], [sflag:$0x1] =	stream.indirect.gather [hbm4b:s3+s12], $0x40, s10, s12, $0xb8;
	[tilespmem:$0x15900] =	vst v63  }
0x20: {  	s19 =	simm.s32 $0x280  }
0x21: {  	[tilespmem:s19], [sflag:$0x3] =	stream.linear.gather [hbm4b:s5+s2], $0x1680, $0x38;
	[tilespmem:$0x15900] =	vst v63  }
0x22: {  	_ =	swait.ge [sflag:s11], $0x1680  }
0x23: {  	[sflag:s11] =	ssyncset.done $0x0  }
0x24: {  	[sflag:s11] =	ssyncadd.s32 $0xFFFFE980  }
0x25: {  	_ =	swait.ge [sflag:s22], $0x2000  }
0x26: {  	[sflag:s22] =	ssyncset.done $0x0  }
0x27: {  	[sflag:s22] =	ssyncadd.s32 $0xFFFFE000  }
0x28: {  	_ =	swait.ge [sflag:s22], $0x2000  }
0x29: {  	[sflag:s22] =	ssyncset.done $0x0  }
0x2a: {  	[sflag:s22] =	ssyncadd.s32 $0xFFFFE000  }
0x2b: {  	_ =	swait.ge [sflag:s22], $0x2000  }
0x2c: {  	[sflag:s22] =	ssyncset.done $0x0  }
0x2d: {  	[sflag:s22] =	ssyncadd.s32 $0xFFFFE000  }
0x2e: {  	_ =	swait.ge [sflag:s22], $0x2000  }
0x2f: {  	[sflag:s22] =	ssyncset.done $0x0  }
0x30: {  	[sflag:s22] =	ssyncadd.s32 $0xFFFFE000  }
0x31: {  	_ =	swait.ge [sflag:s22], $0x2000  }
0x32: {  	[sflag:s22] =	ssyncset.done $0x0  }
0x33: {  	s9 =	simm.s32 $0x280;
	[sflag:s22] =	ssyncadd.s32 $0xFFFFE000  }
0x34: {  	[tilespmem:s23], [sflag:$0x2] =	stream.indirect.gather [hbm4b:s3+s12], $0x40, s9, s12, $0xb8;
	[tilespmem:$0x15900] =	vst v63  }
0x35: {  	s31 =	simm.s32 $0x300  }
0x36: {  	[tilespmem:s24], [sflag:$0x2] =	stream.indirect.gather [hbm4b:s3+s12], $0x40, s31, s12, $0xb8;
	[tilespmem:$0x15900] =	vst v63  }
0x37: {  	s1 =	simm.s32 $0x380  }
0x38: {  	[tilespmem:s25], [sflag:$0x2] =	stream.indirect.gather [hbm4b:s3+s12], $0x40, s1, s12, $0xb8;
	[tilespmem:$0x15900] =	vst v63  }
0x39: {  	s10 =	simm.s32 $0x400  }
0x3a: {  	[tilespmem:s26], [sflag:$0x2] =	stream.indirect.gather [hbm4b:s3+s12], $0x40, s10, s12, $0xb8;
	[tilespmem:$0x15900] =	vst v63  }
0x3b: {  	s19 =	simm.s32 $0x480  }
0x3c: {  	[tilespmem:s28], [sflag:$0x2] =	stream.indirect.gather [hbm4b:s3+s12], $0x40, s19, s12, $0xb8;
	[tilespmem:$0x15900] =	vst v63  }
0x3d: {  	_ = 	snop  }
0x3e: {  	[hbm4b:s21+s2] =	stream.linear.scatter [tilespmem:s13], [sflag:$0x3], $0xA000, $0x38;
	[tilespmem:$0x15900] =	vst v63  }
0x3f: {  	_ =	swait.ge [sflag:s11], $0xA000  }
0x40: {  	[sflag:s11] =	ssyncset.done $0x0  }
0x41: {  	[sflag:s11] =	ssyncadd.s32 $0xFFFF6000  }
0x42: {  	_ =	swait.ge [sflag:s29], $0x2000  }
0x43: {  	[sflag:s29] =	ssyncset.done $0x0  }
0x44: {  	[sflag:s29] =	ssyncadd.s32 $0xFFFFE000  }
0x45: {  	_ =	swait.ge [sflag:s29], $0x2000  }
0x46: {  	[sflag:s29] =	ssyncset.done $0x0  }
0x47: {  	[sflag:s29] =	ssyncadd.s32 $0xFFFFE000  }
0x48: {  	_ =	swait.ge [sflag:s29], $0x2000  }
0x49: {  	[sflag:s29] =	ssyncset.done $0x0  }
0x4a: {  	[sflag:s29] =	ssyncadd.s32 $0xFFFFE000  }
0x4b: {  	_ =	swait.ge [sflag:s29], $0x2000  }
0x4c: {  	[sflag:s29] =	ssyncset.done $0x0  }
0x4d: {  	[sflag:s29] =	ssyncadd.s32 $0xFFFFE000  }
0x4e: {  	_ =	swait.ge [sflag:s29], $0x2000  }
0x4f: {  	[sflag:s29] =	ssyncset.done $0x0  }
0x50: {  	s31 =	simm.s32 $0x500;
	[sflag:s29] =	ssyncadd.s32 $0xFFFFE000  }
0x51: {  	[tilespmem:s13], [sflag:$0x1] =	stream.indirect.gather [hbm4b:s3+s12], $0x40, s31, s12, $0xb8;
	[tilespmem:$0x15900] =	vst v63  }
0x52: {  	s1 =	simm.s32 $0x580  }
0x53: {  	[tilespmem:s14], [sflag:$0x1] =	stream.indirect.gather [hbm4b:s3+s12], $0x40, s1, s12, $0xb8;
	[tilespmem:$0x15900] =	vst v63  }
0x54: {  	s10 =	simm.s32 $0x600  }
0x55: {  	[tilespmem:s16], [sflag:$0x1] =	stream.indirect.gather [hbm4b:s3+s12], $0x40, s10, s12, $0xb8;
	[tilespmem:$0x15900] =	vst v63  }
0x56: {  	s19 =	simm.s32 $0x680  }
0x57: {  	[tilespmem:s18], [sflag:$0x1] =	stream.indirect.gather [hbm4b:s3+s12], $0x40, s19, s12, $0xb8;
	[tilespmem:$0x15900] =	vst v63  }
0x58: {  	s31 =	simm.s32 $0x700  }
0x59: {  	[tilespmem:s20], [sflag:$0x1] =	stream.indirect.gather [hbm4b:s3+s12], $0x40, s31, s12, $0xb8;
	[tilespmem:$0x15900] =	vst v63  }
0x5a: {  	_ = 	snop  }
0x5b: {  	[hbm4b:s30+s2] =	stream.linear.scatter [tilespmem:s23], [sflag:$0x3], $0xA000, $0x38;
	[tilespmem:$0x15900] =	vst v63  }
0x5c: {  	s9 =	smov.u32 s21;
	_ =	swait.ge [sflag:s11], $0xA000  }
0x5d: {  	s10 =	smov.u32 s30;
	s19 =	simm.s32 $0x1400;
	[sflag:s11] =	ssyncset.done $0x0  }
.LBB2_2:
0x5e: {  	[sflag:s11] =	ssyncadd.s32 $0xFFFF6000;
	s9 =	sadd.s32 $0x2800, s9;
	s10 =	sadd.s32 $0x2800, s10  }
0x5f: {  	p0 =	sne.s32 s19, $0x3C00;
	s31 =	smov.u32 s19;
	s19 =	sadd.s32 $0x1400, s19  }
0x60: {  	_ =	swait.ge [sflag:s22], $0x2000  }
0x61: {  	[sflag:s22] =	ssyncset.done $0x0  }
0x62: {  	[sflag:s22] =	ssyncadd.s32 $0xFFFFE000  }
0x63: {  	_ =	swait.ge [sflag:s22], $0x2000  }
0x64: {  	[sflag:s22] =	ssyncset.done $0x0  }
0x65: {  	[sflag:s22] =	ssyncadd.s32 $0xFFFFE000  }
0x66: {  	_ =	swait.ge [sflag:s22], $0x2000  }
0x67: {  	[sflag:s22] =	ssyncset.done $0x0  }
0x68: {  	[sflag:s22] =	ssyncadd.s32 $0xFFFFE000  }
0x69: {  	_ =	swait.ge [sflag:s22], $0x2000  }
0x6a: {  	[sflag:s22] =	ssyncset.done $0x0  }
0x6b: {  	[sflag:s22] =	ssyncadd.s32 $0xFFFFE000  }
0x6c: {  	_ =	swait.ge [sflag:s22], $0x2000  }
0x6d: {  	s31 =	sshra.s32 s31, $0x2;
	[sflag:s22] =	ssyncset.done $0x0  }
0x6e: {  	s1 =	sadd.s32 $0x280, s31;
	[sflag:s22] =	ssyncadd.s32 $0xFFFFE000  }
0x6f: {  	[tilespmem:s23], [sflag:$0x2] =	stream.indirect.gather [hbm4b:s3+s12], $0x40, s1, s12, $0xb8;
	[tilespmem:$0x15900] =	vst v63  }
0x70: {  	s1 =	sadd.s32 $0x300, s31  }
0x71: {  	[tilespmem:s24], [sflag:$0x2] =	stream.indirect.gather [hbm4b:s3+s12], $0x40, s1, s12, $0xb8;
	[tilespmem:$0x15900] =	vst v63  }
0x72: {  	s1 =	sadd.s32 $0x380, s31  }
0x73: {  	[tilespmem:s25], [sflag:$0x2] =	stream.indirect.gather [hbm4b:s3+s12], $0x40, s1, s12, $0xb8;
	[tilespmem:$0x15900] =	vst v63  }
0x74: {  	s1 =	sadd.s32 $0x400, s31  }
0x75: {  	[tilespmem:s26], [sflag:$0x2] =	stream.indirect.gather [hbm4b:s3+s12], $0x40, s1, s12, $0xb8;
	[tilespmem:$0x15900] =	vst v63  }
0x76: {  	s1 =	sadd.s32 $0x480, s31  }
0x77: {  	[tilespmem:s28], [sflag:$0x2] =	stream.indirect.gather [hbm4b:s3+s12], $0x40, s1, s12, $0xb8;
	[tilespmem:$0x15900] =	vst v63  }
0x78: {  	_ = 	snop  }
0x79: {  	[hbm4b:s9+s2] =	stream.linear.scatter [tilespmem:s13], [sflag:$0x3], $0xA000, $0x38;
	[tilespmem:$0x15900] =	vst v63  }
0x7a: {  	_ =	swait.ge [sflag:s11], $0xA000  }
0x7b: {  	[sflag:s11] =	ssyncset.done $0x0  }
0x7c: {  	[sflag:s11] =	ssyncadd.s32 $0xFFFF6000  }
0x7d: {  	_ =	swait.ge [sflag:s29], $0x2000  }
0x7e: {  	[sflag:s29] =	ssyncset.done $0x0  }
0x7f: {  	[sflag:s29] =	ssyncadd.s32 $0xFFFFE000  }
0x80: {  	_ =	swait.ge [sflag:s29], $0x2000  }
0x81: {  	[sflag:s29] =	ssyncset.done $0x0  }
0x82: {  	[sflag:s29] =	ssyncadd.s32 $0xFFFFE000  }
0x83: {  	_ =	swait.ge [sflag:s29], $0x2000  }
0x84: {  	[sflag:s29] =	ssyncset.done $0x0  }
0x85: {  	[sflag:s29] =	ssyncadd.s32 $0xFFFFE000  }
0x86: {  	_ =	swait.ge [sflag:s29], $0x2000  }
0x87: {  	[sflag:s29] =	ssyncset.done $0x0  }
0x88: {  	[sflag:s29] =	ssyncadd.s32 $0xFFFFE000  }
0x89: {  	_ =	swait.ge [sflag:s29], $0x2000  }
0x8a: {  	[sflag:s29] =	ssyncset.done $0x0  }
0x8b: {  	s1 =	sadd.s32 $0x500, s31;
	[sflag:s29] =	ssyncadd.s32 $0xFFFFE000  }
0x8c: {  	[tilespmem:s13], [sflag:$0x1] =	stream.indirect.gather [hbm4b:s3+s12], $0x40, s1, s12, $0xb8;
	[tilespmem:$0x15900] =	vst v63  }
0x8d: {  	s1 =	sadd.s32 $0x580, s31  }
0x8e: {  	[tilespmem:s14], [sflag:$0x1] =	stream.indirect.gather [hbm4b:s3+s12], $0x40, s1, s12, $0xb8;
	[tilespmem:$0x15900] =	vst v63  }
0x8f: {  	s1 =	sadd.s32 $0x600, s31  }
0x90: {  	[tilespmem:s16], [sflag:$0x1] =	stream.indirect.gather [hbm4b:s3+s12], $0x40, s1, s12, $0xb8;
	[tilespmem:$0x15900] =	vst v63  }
0x91: {  	s1 =	sadd.s32 $0x680, s31  }
0x92: {  	[tilespmem:s18], [sflag:$0x1] =	stream.indirect.gather [hbm4b:s3+s12], $0x40, s1, s12, $0xb8;
	[tilespmem:$0x15900] =	vst v63  }
0x93: {  	s1 =	sadd.s32 $0x700, s31  }
0x94: {  	[tilespmem:s20], [sflag:$0x1] =	stream.indirect.gather [hbm4b:s3+s12], $0x40, s1, s12, $0xb8;
	[tilespmem:$0x15900] =	vst v63  }
.Ltmp0:
0x95: {  	_ = 	snop;
	(pc) =	sbr.rel @p0 .LBB2_2-.Ltmp0, $4  }
0x96: {  	_ = 	snop  }
0x97: {  	[hbm4b:s10+s2] =	stream.linear.scatter [tilespmem:s23], [sflag:$0x3], $0xA000, $0x38;
	[tilespmem:$0x15900] =	vst v63  }
0x98: {  	_ =	swait.ge [sflag:s11], $0xA000  }
0x99: {  	[sflag:s11] =	ssyncset.done $0x0  }
0x9a: {  	[sflag:s11] =	ssyncadd.s32 $0xFFFF6000  }
0x9b: {  	_ =	swait.ge [sflag:s22], $0x2000  }
0x9c: {  	[sflag:s22] =	ssyncset.done $0x0  }
0x9d: {  	[sflag:s22] =	ssyncadd.s32 $0xFFFFE000  }
0x9e: {  	_ =	swait.ge [sflag:s22], $0x2000  }
0x9f: {  	[sflag:s22] =	ssyncset.done $0x0  }
0xa0: {  	[sflag:s22] =	ssyncadd.s32 $0xFFFFE000  }
0xa1: {  	_ =	swait.ge [sflag:s22], $0x2000  }
0xa2: {  	[sflag:s22] =	ssyncset.done $0x0  }
0xa3: {  	[sflag:s22] =	ssyncadd.s32 $0xFFFFE000  }
0xa4: {  	_ =	swait.ge [sflag:s22], $0x2000  }
0xa5: {  	[sflag:s22] =	ssyncset.done $0x0  }
0xa6: {  	[sflag:s22] =	ssyncadd.s32 $0xFFFFE000  }
0xa7: {  	_ =	swait.ge [sflag:s22], $0x2000  }
0xa8: {  	[sflag:s22] =	ssyncset.done $0x0  }
0xa9: {  	s1 =	simm.s32 $0x1680;
	[sflag:s22] =	ssyncadd.s32 $0xFFFFE000  }
0xaa: {  	[tilespmem:s23], [sflag:$0x2] =	stream.indirect.gather [hbm4b:s3+s12], $0x40, s1, s12, $0xb8;
	[tilespmem:$0x15900] =	vst v63  }
0xab: {  	s19 =	simm.s32 $0x1700  }
0xac: {  	[tilespmem:s24], [sflag:$0x2] =	stream.indirect.gather [hbm4b:s3+s12], $0x40, s19, s12, $0xb8;
	[tilespmem:$0x15900] =	vst v63  }
0xad: {  	s31 =	simm.s32 $0x1780  }
0xae: {  	[tilespmem:s25], [sflag:$0x2] =	stream.indirect.gather [hbm4b:s3+s12], $0x40, s31, s12, $0xb8;
	[tilespmem:$0x15900] =	vst v63  }
0xaf: {  	_ = 	snop  }
0xb0: {  	[tilespmem:s26], [sflag:$0x2] =	stream.indirect.gather [hbm4b:s3+s12], $0x40, s0, s12, $0xb8;
	[tilespmem:$0x15900] =	vst v63  }
0xb1: {  	_ = 	snop  }
0xb2: {  	[tilespmem:s28], [sflag:$0x2] =	stream.indirect.gather [hbm4b:s3+s12], $0x40, s15, s12, $0xb8;
	[tilespmem:$0x15900] =	vst v63  }
0xb3: {  	_ = 	snop  }
0xb4: {  	[hbm4b:s6+s2] =	stream.linear.scatter [tilespmem:s13], [sflag:$0x3], $0xA000, $0x38;
	[tilespmem:$0x15900] =	vst v63  }
0xb5: {  	_ =	swait.ge [sflag:s11], $0xA000  }
0xb6: {  	[sflag:s11] =	ssyncset.done $0x0  }
0xb7: {  	[sflag:s11] =	ssyncadd.s32 $0xFFFF6000  }
0xb8: {  	_ =	swait.ge [sflag:s29], $0x2000  }
0xb9: {  	[sflag:s29] =	ssyncset.done $0x0  }
0xba: {  	[sflag:s29] =	ssyncadd.s32 $0xFFFFE000  }
0xbb: {  	_ =	swait.ge [sflag:s29], $0x2000  }
0xbc: {  	[sflag:s29] =	ssyncset.done $0x0  }
0xbd: {  	[sflag:s29] =	ssyncadd.s32 $0xFFFFE000  }
0xbe: {  	_ =	swait.ge [sflag:s29], $0x2000  }
0xbf: {  	[sflag:s29] =	ssyncset.done $0x0  }
0xc0: {  	[sflag:s29] =	ssyncadd.s32 $0xFFFFE000  }
0xc1: {  	_ =	swait.ge [sflag:s29], $0x2000  }
0xc2: {  	[sflag:s29] =	ssyncset.done $0x0  }
0xc3: {  	[sflag:s29] =	ssyncadd.s32 $0xFFFFE000  }
0xc4: {  	s17 =	sadd.s32 $0x1, s17;
	_ =	swait.ge [sflag:s29], $0x2000  }
0xc5: {  	p0 =	sne.s32 s17, s8;
	[sflag:s29] =	ssyncset.done $0x0  }
.Ltmp1:
0xc6: {  	[sflag:s29] =	ssyncadd.s32 $0xFFFFE000;
	(pc) =	sbr.rel @p0 .LBB2_1-.Ltmp1, $4  }
0xc7: {  	[hbm4b:s7+s2] =	stream.linear.scatter [tilespmem:s23], [sflag:$0x3], $0xA000, $0x38;
	[tilespmem:$0x15900] =	vst v63  }
0xc8: {  	_ =	swait.ge [sflag:s11], $0xA000  }
0xc9: {  	[sflag:s11] =	ssyncset.done $0x0  }
0xca: {  	[sflag:s11] =	ssyncadd.s32 $0xFFFF6000  }
0xcb: {  	_ =	sfence.sel $0x180000  }
0xcc: {  	[bflag:$0x0] =	sbarrier.arrive $0xFFFF  }
0xcd: {  	_ =	strace $0x90000047  }
0xce: {  	s0 =	stileid.u32;
	[bflag:$0x2] =	sbarrier.arrive $0xFFFF  }
0xcf: {  	p0 =	sne.s32 s0, $0x0;
	s0 =	rddreg [dreg:$0x2]  }
0xd0: {  	s0 =	sadd.s32 @!p0 $0x100000, s0  }
0xd1: {  	[sflag:s0] =	ssyncadd.tile.s32 @!p0 $0x1;
	_ =	shalt  }
.Lfunc_end2:
_tile_overlayer_lowered:
.L_overlay_start_2:
0xd2: {  	(tag) =	ssettag $0x2  }
0xd3: {  	s0 =	rddreg [dreg:$0x0];
	s2 =	stileid.u32  }
0xd4: {  	s1 =	rddreg [dreg:$0x1];
	p0 =	sne.s32 s2, $0x0  }
0xd5: {  	s3 =	rddreg [dreg:$0x2];
	[bflag:$0x3] =	sbarrier.arrive $0xFFFF;
	s2 =	simm.s32 @!p0 $0x1C03  }
0xd6: {  	[timem:s3], [sflag:s2] =	dma.local @!p0 [hbm:s0], s1  }
0xd7: {  	s0 =	simm.s32 @!p0 $0x3  }
0xd8: {  	_ =	swait.ge @!p0 [sflag:s0], s1  }
0xd9: {  	s1 =	ssub.s32 @!p0 $0x0, s1;
	[sflag:s0] =	ssyncset.done @!p0 $0x0  }
0xda: {  	[sflag:s0] =	ssyncadd.s32 @!p0 s1  }
0xdb: {  	[bflag:$0x3] =	sbarrier.arrive $0xFFFF  }
0xdc: {  	_ =	shalt  }

// kernel: sparse-core-data-format-call.cloned.1.call-start
scs
called_computation_lowered:
.L_overlay_start_0:
0x0: {  	s2 =	sld [smem:$0x3FD9]  }
0x1: {  	s3 =	sld [smem:$0x3FFE];
	_ =	sdelay $0x1  }
0x2: {  	s1 =	srdreg.scid  }
0x3: {  	s0 =	sand.u32 $0x1, s1  }
0x4: {  	s18 =	sshll.u32 s0, $0xA;
	s2 =	sadd.s32 s3, s2  }
0x5: {  	s2 =	sadd.s32 s2, s18  }
0x6: {  	[smem:$0x3FC6] =	sst s2  }
0x7: {  	_ = 	snop  }
0x8: {  	s2 =	sld [smem:$0x3FD0];
	(tm) =	ssettm $0x1  }
0x9: {  	s19 =	sld [smem:$0x3FFB];
	_ =	sdelay $0x3  }
0xa: {  	_ =	strace s19  }
0xb: {  	s3 =	sld [smem:$0x3FFC];
	_ =	sdelay $0x3  }
0xc: {  	_ =	strace s3  }
0xd: {  	s3 =	sld [smem:$0x3FFD];
	_ =	sdelay $0x3  }
0xe: {  	_ =	strace s3  }
0xf: {  	_ =	strace $0x8FFFFFFF  }
0x10: {  	s20 =	sld [smem:$0x3FDB];
	_ =	sdelay $0x1  }
0x11: {  	s4 =	simm.s32 $_scs_section_size  }
0x12: {  	s5 =	simm.s32 $_size__tile_overlayer_lowered;
	s6 =	simm.s32 $_tile_overlayer_lowered  }
0x13: {  	s23 =	simm.s32 $0x1BFF;
	s22 =	sshll.u32 s6, $0x1;
	s3 =	sadd.s32 s4, s20  }
0x14: {  	s7 =	simm.s32 $0x0;
	s21 =	sshll.u32 s5, $0x1;
	s5 =	sadd.s32 s22, s3  }
0x15: {  	[timem:s7], [sflag:s23] =	dma.local [hbm:s5], s21  }
0x16: {  	_ =	swait.ge [sflag:s23], s21  }
0x17: {  	s4 =	ssub.s32 $0x0, s21;
	[sflag:s23] =	ssyncset.done $0x0  }
0x18: {  	[sflag:s23] =	ssyncadd.s32 s4;
	_ =	sdelay $0x1  }
0x19: {  	s24 =	simm.s32 $0x1B8B  }
0x1a: {  	_ =	swait.ge [sflag:s24], $0x1  }
0x1b: {  	[sflag:s24] =	ssyncset.done $0x0  }
0x1c: {  	s26 =	simm.s32 $0x1B8E;
	s25 =	sld [smem:$0x3FFE];
	[sflag:s24] =	ssyncadd.s32 $0xFFFFFFFF  }
0x1d: {  	s27 =	simm.s32 $execute0_lowered;
	[smem:$0x3FD2] =	sst s26  }
0x1e: {  	s5 =	sshll.u32 s27, $0x1;
	_ =	strace $0x80000049;
	[dreg:$0x1] =	wrdreg $0xFFFFFFFF  }
0x1f: {  	s28 =	simm.s32 $_size_execute0_lowered;
	s3 =	sadd.s32 s3, s5;
	[dreg:$0x0] =	wrdreg $0x0  }
0x20: {  	s5 =	sshll.u32 s28, $0x1;
	[dreg:$0x2] =	wrdreg s3  }
0x21: {  	[dreg:$0x3] =	wrdreg s5  }
0x22: {  	[dreg:$0x4] =	wrdreg $0xC0  }
0x23: {  	_ =	task [dreg:s7], $0x5FFFF  }
0x24: {  	[dreg:$0x1] =	wrdreg $0xFFFFFFFF  }
0x25: {  	[dreg:$0x0] =	wrdreg $0x60  }
0x26: {  	[dreg:$0x2] =	wrdreg s25  }
0x27: {  	[dreg:$0x3] =	wrdreg s2  }
0x28: {  	[dreg:$0x4] =	wrdreg $0x9  }
0x29: {  	_ =	task.clear_ibuf [dreg:s7], $0x5FFFF;
	_ =	strace $0x90000049  }
0x2a: {  	s29 =	simm.s32 $0x9;
	_ =	strace $0x8000004B  }
0x2b: {  	_ =	swait.ge [sflag:s29], $0x1  }
0x2c: {  	[sflag:s29] =	ssyncadd.s32 $0xFFFFFFFF  }
0x2d: {  	_ =	strace $0x9000004B  }
0x2e: {  	_ =	sfence  }
0x2f: {  	s30 =	sld [smem:$0x0];
	_ =	sdelay $0x2  }
0x30: {  	s31 =	sshll.u32 s1, $0xD;
	s1 =	sshrl.u32 s1, $0x2  }
0x31: {  	s3 =	sand.u32 $0x4000, s31;
	s1 =	sadd.s32 s1, s30  }
0x32: {  	s0 =	sor.u32 s3, s0;
	s1 =	sshll.u32 s1, $0x11  }
0x33: {  	s0 =	sor.u32 s1, s0  }
0x34: {  	s0 =	sadd.s32 $0x8F2B, s0  }
0x35: {  	[sflag:s0] =	ssyncadd.remote.s32 $0x1  }
0x36: {  	_ =	sfence.sel $0xFFFF  }
0x37: {  	[dreg:$0x0] =	wrdreg $0xFFFFFFFF;
	(pc) =	sbr.abs _section_cstart, $3  }
0x38: {  	[dreg:$0x1] =	wrdreg $0xFFFFFFFF  }
0x39: {  	_ =	task.clear_ibuf [dreg:s7], $0x2FFFF;
	_ =	strace $0x9FFFFFFF  }
0x3a: {  	(tm) =	ssettm $0x7FFFFFFF  }
0x3b: {  	_ =	shalt  }
tec
execute0_lowered:
.L_overlay_start_1:
0x0: {  	(tag) =	ssettag $0x1  }
0x1: {  	s0 =	srdreg.scid  }
0x2: {  	s1 =	sshll.u32 s0, $0x4  }
0x3: {  	s4 =	rddreg [dreg:$0x0];
	s0 =	stileid.u32;
	s1 =	sand.u32 $0x10, s1  }
0x4: {  	s2 =	rddreg [dreg:$0x1];
	s7 =	simm.s32 $0x1;
	s1 =	sor.u32 s0, s1  }
0x5: {  	s8 =	simm.s32 $0x2;
	s11 =	simm.s32 $0x0;
	s3 =	sshll.u32 s1, $0x7  }
0x6: {  	s10 =	simm.s32 $0x0;
	s4 =	sadd.s32 $0x800, s4;
	s6 =	ssub.s32 $0x32000, s3  }
.Ltmp0:
0x7: {  	s1 =	rddreg [dreg:$0x2];
	s5 =	sand.u32 $0xF80, s6;
	(pc) =	sbr.rel .LBB1_1-.Ltmp0, $4  }
0x8: {  	_ =	strace $0x8000004A;
	s9 =	smov.u32 s3;
	p0 =	sne.s32 s5, $0x0  }
0x9: {  	s6 =	sshrl.u32 s6, $0xC;
	s5 =	simm.s32 $0x1;
	s7 =	simm.s32 @!p0 $0x0  }
0xa: {  	[sflag:s5] =	ssyncpa.u1 $0x0;
	p0 =	por $0x0, $0x0;
	s6 =	sadd.s32 s7, s6  }
0xb: {  	[sflag:s8] =	ssyncpa.u1 $0x0;
	s8 =	simm.s32 $0x190000;
	s7 =	sadd.s32 $0x1, s6  }
.LBB1_4:
0xc: {  	s14 =	sshll.u32 s11, $0x3  }
0xd: {  	s30 =	sand.u32 $0x7F, s11;
	s15 =	sand.u32 $0xFFFFFC00, s14  }
0xe: {  	s11 =	sor.u32 s30, s15  }
0xf: {  	s15 =	smulhi.u32 $0x51EB851F, s11  }
0x10: {  	s14 =	smulhi.u32 $0x51EB851F, s14  }
0x11: {  	s15 =	sshrl.u32 s15, $0x10  }
0x12: {  	s14 =	sshrl.u32 s14, $0x10;
	s15 =	smul.u32 $0x32000, s15  }
0x13: {  	s14 =	sand.u32 $0x3F, s14  }
0x14: {  	s14 =	smul.u32 $0x6400, s14;
	s11 =	ssub.s32 s11, s15  }
0x15: {  	[tilespmem:s13+$0x810 ss:$0x81] =	vst.msk $0xffff, v2;
	s15 =	sand.u32 $0x7, s11  }
0x16: {  	[tilespmem:s13+$0x1020 ss:$0x81] =	vst.msk $0xffff, v0;
	s14 =	sadd.s32 s2, s14;
	s11 =	sshrl.u32 s11, $0x3;
	s15 =	sshll.u32 s15, $0x12  }
0x17: {  	[tilespmem:s13+$0x0 ss:$0x81] =	vst.msk $0xffff, v1;
	s11 =	sadd.s32 s11, s14;
	s31 =	sor.u32 $0x400, s15  }
0x18: {  	[hbm4b:s11+s31] =	stream.strided.scatter [tilespmem:s12], [sflag:$0x2], $0x2000, s8, s31, $0x20;
	[tilespmem:$0x8080] =	vst v63  }
.LBB1_5:
0x19: {  	s13 =	sadd.s32 $0x1000, s9  }
0x1a: {  	p2 =	sgt.s32 s13, $0x31FFF  }
0x1b: {  	s13 =	smov.u32 @p2 s3;
	p2 =	sne.s32 s10, s7  }
.Ltmp1:
0x1c: {  	p1 =	slt.u32 s10, $0x2;
	(pc) =	sbr.rel @!p2 .LBB1_6-.Ltmp1, $4  }
0x1d: {  	s12 =	simm.s32 @!p1 $0x2  }
0x1e: {  	s14 =	sadd.s32 $0x1, s10;
	_ =	swait.ge @!p1 [sflag:s12], $0x2000  }
0x1f: {  	s11 =	smov.u32 s9;
	p0 =	por !p0, !p0;
	[sflag:s12] =	ssyncset.done @!p1 $0x0  }
0x20: {  	s10 =	smov.u32 s14;
	s9 =	smov.u32 s13;
	[sflag:s12] =	ssyncadd.s32 @!p1 $0xFFFFE000  }
.LBB1_1:
0x21: {  	p1 =	sge.u32 s10, s6  }
0x22: {  	s12 =	sand.u32 @!p1 $0x1FFFFFF, s9  }
0x23: {  	s13 =	smulhi.u32 @!p1 $0x147AE15, s12;
	_ =	sdelay $0x1  }
0x24: {  	s13 =	sshrl.u32 @!p1 s13, $0xA  }
0x25: {  	s13 =	smul.u32 @!p1 $0x32000, s13;
	_ =	sdelay $0x1  }
0x26: {  	s31 =	sadd.s32 $0xFFFFFFFF, s10;
	s14 =	sxor.u32 @!p1 $0xFFFFFFFF, s10;
	s12 =	ssub.s32 @!p1 s12, s13  }
0x27: {  	s15 =	simm.s32 @!p1 $0x80;
	s14 =	sshll.u32 @!p1 s14, $0xD;
	s12 =	sshll.u32 @!p1 s12, $0x4  }
0x28: {  	s13 =	sand.u32 @!p1 $0x2000, s14;
	s14 =	simm.s32 @!p1 $0x40;
	s12 =	sadd.s32 @!p1 s4, s12  }
0x29: {  	[tilespmem:s13], [sflag:$0x1] =	stream.strided.gather @!p1 [hbm4b:s12+s14], $0x2000, s15, s14, $0x38;
	[tilespmem:$0x8080] =	vst v63  }
0x2a: {  	p1 =	sge.u32 s31, s6  }
.Ltmp2:
0x2b: {  	_ = 	snop;
	(pc) =	sbr.rel @p1 .LBB1_5-.Ltmp2, $1  }
0x2c: {  	_ =	sdelay $0x3  }
0x2d: {  	s12 =	simm.s32 $0x1  }
0x2e: {  	_ =	swait.ge [sflag:s5], $0x2000;
	s12 =	simm.s32 @!p0 $0x0  }
0x2f: {  	[sflag:s5] =	ssyncset.done $0x0;
	s13 =	sshll.u32 s12, $0xD  }
0x30: {  	[sflag:s5] =	ssyncadd.s32 $0xFFFFE000;
	s16 =	sor.u32 $0x20, s13  }
0x31: {  	s12 =	smul.u32 $0x8100, s12;
	v3 =	vld [tilespmem:s16+$0x10]  }
0x32: {  	s30 =	sand.u32 $0x1, s10;
	v2 =	vld [tilespmem:s16+$0xFFFFFFF0]  }
0x33: {  	s13 =	smul.u32 $0x8100, s30;
	s12 =	sshrl.u32 s12, $0x2;
	v0 =	vld [tilespmem:s16+$0x0]  }
0x34: {  	v1 =	vld [tilespmem:s16+$0xFFFFFFE0];
	s14 =	sor.u32 $0x4000, s12  }
0x35: {  	s31 =	sshrl.u32 s13, $0x2;
	s13 =	sadd.s32 $0x0, s14  }
0x36: {  	s15 =	simm.s32 $0x4;
	s16 =	sadd.s32 $0x40, s16;
	s12 =	sor.u32 $0x4000, s31;
	[tilespmem:s13+$0x1830 ss:$0x81] =	vst.msk $0xffff, v3  }
.LBB1_3:
0x37: {  	v3 =	vld [tilespmem:s16+$0x10];
	p1 =	sne.s32 s15, $0x1FC;
	[tilespmem:s13+$0x810 ss:$0x81] =	vst.msk $0xffff, v2;
	s17 =	smov.u32 s15;
	s15 =	sadd.s32 $0x4, s15  }
.Ltmp3:
0x38: {  	v2 =	vld [tilespmem:s16+$0xFFFFFFF0];
	[tilespmem:s13+$0x1020 ss:$0x81] =	vst.msk $0xffff, v0;
	(pc) =	sbr.rel @p1 .LBB1_3-.Ltmp3, $4  }
0x39: {  	v0 =	vld [tilespmem:s16+$0x0];
	[tilespmem:s13+$0x0 ss:$0x81] =	vst.msk $0xffff, v1  }
0x3a: {  	s13 =	sshra.s32 s17, $0x2;
	v1 =	vld [tilespmem:s16+$0xFFFFFFE0]  }
0x3b: {  	s13 =	sadd.s32 s13, s14  }
0x3c: {  	s16 =	sadd.s32 $0x40, s16;
	[tilespmem:s13+$0x1830 ss:$0x81] =	vst.msk $0xffff, v3  }
.Ltmp4:
0x3d: {  	_ = 	snop;
	(pc) =	sbr.rel .LBB1_4-.Ltmp4, $1  }
0x3e: {  	_ =	sdelay $0x3  }
.LBB1_6:
0x3f: {  	_ =	sfence.sel $0x180000  }
0x40: {  	s2 =	simm.s32 $0x1;
	[bflag:$0x0] =	sbarrier.arrive $0xFFFF  }
0x41: {  	s31 =	simm.s32 $0x2;
	[sflag:s2] =	ssyncpa.u1 $0x1  }
0x42: {  	[sflag:s31] =	ssyncpa.u1 $0x1  }
0x43: {  	p0 =	sne.s32 s0, $0x0;
	_ =	strace $0x9000004A  }
0x44: {  	s0 =	sadd.s32 @!p0 $0x100000, s1;
	[bflag:$0x2] =	sbarrier.arrive $0xFFFF  }
0x45: {  	[sflag:s0] =	ssyncadd.tile.s32 @!p0 $0x1;
	_ =	shalt  }
.Lfunc_end1:
_tile_overlayer_lowered:
.L_overlay_start_2:
0x46: {  	(tag) =	ssettag $0x2  }
0x47: {  	s0 =	rddreg [dreg:$0x0];
	s2 =	stileid.u32  }
0x48: {  	s1 =	rddreg [dreg:$0x1];
	p0 =	sne.s32 s2, $0x0  }
0x49: {  	s3 =	rddreg [dreg:$0x2];
	[bflag:$0x3] =	sbarrier.arrive $0xFFFF;
	s2 =	simm.s32 @!p0 $0x1C01  }
0x4a: {  	[timem:s3], [sflag:s2] =	dma.local @!p0 [hbm:s0], s1  }
0x4b: {  	s0 =	simm.s32 @!p0 $0x1  }
0x4c: {  	_ =	swait.ge @!p0 [sflag:s0], s1  }
0x4d: {  	s1 =	ssub.s32 @!p0 $0x0, s1;
	[sflag:s0] =	ssyncset.done @!p0 $0x0  }
0x4e: {  	[sflag:s0] =	ssyncadd.s32 @!p0 s1  }
0x4f: {  	[bflag:$0x3] =	sbarrier.arrive $0xFFFF  }
0x50: {  	_ =	shalt  }

</sc_bundles>
